<compile_context>
chip_gen: v7x
topology: tpu7x:2x2x1
jax: 0.10.2.dev20260603
libtpu: 0.0.44.dev20260713+nightly
codegen_flags: <defaults>
</compile_context>

<pallas_src>
import functools

import jax
import jax.numpy as jnp
from jax import lax
from jax.experimental import pallas as pl
from jax.experimental.pallas import tpu as pltpu
from jax.experimental.pallas import tpu_sc as plsc

B, C, N, H, K = 2, 256, 2048, 8, 16
D = C // H
PW = 16
PWG = 128
BN = B * N
BNK = BN * K
SCALE = D ** -0.5
EPS = 1e-5
TN = 512
RK = 256
TM = 128
TF = 512
NW = 32
CH = 128
F32 = jnp.float32


CHW = C // 2


def _dot(a, b, ca, cb, precision=None):
    return lax.dot_general(a, b, (((ca,), (cb,)), ((), ())),
                           preferred_element_type=F32, precision=precision)


def _pack_bf16(lo, hi):
    l16 = lax.bitcast_convert_type(lo.astype(jnp.bfloat16), jnp.uint16)
    h16 = lax.bitcast_convert_type(hi.astype(jnp.bfloat16), jnp.uint16)
    return l16.astype(jnp.int32) | (h16.astype(jnp.int32) << 16)


def _unpack_bf16(w):
    lo = lax.bitcast_convert_type(w << 16, F32)
    hi = lax.bitcast_convert_type(w & jnp.int32(-65536), F32)
    return jnp.concatenate([lo, hi], axis=1)


def _prep_body(x_ref, xyz_ref, wq_ref, wkv_ref,
               xtab_ref, qtab_ref, ktab_ref, vtab_ref, ptab_ref, ptabw_ref):
    xT = x_ref[0].T
    xtab_ref[...] = xT
    qtab_ref[...] = _dot(xT, wq_ref[...], 1, 1)
    kv = _dot(xT, wkv_ref[...], 1, 1)
    ktab_ref[...] = _pack_bf16(kv[:, :CHW], kv[:, CHW:C])
    vtab_ref[...] = _pack_bf16(kv[:, C:C + CHW], kv[:, C + CHW:])
    p16 = jnp.concatenate(
        [xyz_ref[0], jnp.zeros((PW - 3, TN), F32)], axis=0)
    pT = p16.T
    ptab_ref[...] = pT
    ptabw_ref[...] = jnp.concatenate(
        [pT, jnp.zeros((TN, PWG - PW), F32)], axis=1)


def _prep(x, xyz, Wq, Wkv):
    nj = N // TN
    return pl.pallas_call(
        _prep_body,
        grid=(B, nj),
        in_specs=[
            pl.BlockSpec((1, C, TN), lambda b, j: (b, 0, j)),
            pl.BlockSpec((1, 3, TN), lambda b, j: (b, 0, j)),
            pl.BlockSpec((C, C), lambda b, j: (0, 0)),
            pl.BlockSpec((2 * C, C), lambda b, j: (0, 0)),
        ],
        out_specs=[
            pl.BlockSpec((TN, C), lambda b, j: (b * (N // TN) + j, 0)),
            pl.BlockSpec((TN, C), lambda b, j: (b * (N // TN) + j, 0)),
            pl.BlockSpec((TN, CHW), lambda b, j: (b * (N // TN) + j, 0)),
            pl.BlockSpec((TN, CHW), lambda b, j: (b * (N // TN) + j, 0)),
            pl.BlockSpec((TN, PW), lambda b, j: (b * (N // TN) + j, 0)),
            pl.BlockSpec((TN, PWG), lambda b, j: (b * (N // TN) + j, 0)),
        ],
        out_shape=[
            jax.ShapeDtypeStruct((BN, C), F32),
            jax.ShapeDtypeStruct((BN, C), F32),
            jax.ShapeDtypeStruct((BN, CHW), jnp.int32),
            jax.ShapeDtypeStruct((BN, CHW), jnp.int32),
            jax.ShapeDtypeStruct((BN, PW), F32),
            jax.ShapeDtypeStruct((BN, PWG), F32),
        ],
    )(x, xyz, Wq, Wkv)


def _knn_body(pblk_ref, pall_ref, idx_ref, ms_ref, mm_ref):
    pb = pblk_ref[...]
    pa = pall_ref[...]
    g = _dot(pb, pa, 1, 1)
    sqa = _dot(jnp.ones((1, PW), F32), pa * pa, 1, 1,
               precision=lax.Precision.HIGHEST)
    d2 = sqa - 2.0 * g
    iota = lax.broadcasted_iota(jnp.int32, (RK, N), 1)
    cols = []
    for _ in range(K):
        cand = jnp.argmin(d2, axis=1)[:, None]
        cols.append(cand)
        d2 = jnp.where(iota == cand, 3.0e38, d2)
    b = pl.program_id(0)
    idx_ref[...] = jnp.concatenate(cols, axis=1) + b * N

    hp = lax.Precision.HIGHEST
    maskf = jnp.where(d2 == 3.0e38, 1.0, 0.0)
    pah = pa.astype(jnp.bfloat16).astype(F32)
    pal = pa - pah
    qsum = _dot(maskf, pah, 1, 0) + _dot(maskf, pal, 1, 0)
    csum = _dot(maskf, jnp.ones((RK, 1), F32), 0, 0)
    wpa = pa * csum
    wh = wpa.astype(jnp.bfloat16).astype(F32)
    wl = wpa - wh
    term1 = (_dot(wh, pah, 0, 0) + _dot(wh, pal, 0, 0)
             + _dot(wl, pah, 0, 0))
    tsp = _dot(qsum, pb, 0, 0, precision=hp)
    tspt = _dot(pb, qsum, 0, 0, precision=hp)
    gpb = _dot(pb, pb, 0, 0, precision=hp)
    m = term1 - tsp - tspt + float(K) * gpb
    s = jnp.sum(qsum - float(K) * pb, axis=0, keepdims=True)
    first = jnp.logical_and(pl.program_id(0) == 0, pl.program_id(1) == 0)

    @pl.when(first)
    def _():
        ms_ref[...] = s
        mm_ref[...] = m

    @pl.when(jnp.logical_not(first))
    def _():
        ms_ref[...] += s
        mm_ref[...] += m


def _knn(ptab):
    nj = N // RK
    return pl.pallas_call(
        _knn_body,
        grid=(B, nj),
        in_specs=[
            pl.BlockSpec((RK, PW), lambda b, j: (b * (N // RK) + j, 0)),
            pl.BlockSpec((N, PW), lambda b, j: (b, 0)),
        ],
        out_specs=[
            pl.BlockSpec((RK, K), lambda b, j: (b * (N // RK) + j, 0)),
            pl.BlockSpec((1, PW), lambda b, j: (0, 0)),
            pl.BlockSpec((PW, PW), lambda b, j: (0, 0)),
        ],
        out_shape=[
            jax.ShapeDtypeStruct((BN, K), jnp.int32),
            jax.ShapeDtypeStruct((1, PW), F32),
            jax.ShapeDtypeStruct((PW, PW), F32),
        ],
    )(ptab, ptab)


def _gather_sc(idx2d, ktab, vtab, ptab):
    nch = BNK // CH // NW

    mesh = plsc.VectorSubcoreMesh(core_axis_name="c", subcore_axis_name="s")

    @functools.partial(
        pl.kernel,
        mesh=mesh,
        out_type=[
            jax.ShapeDtypeStruct((BNK, CHW), jnp.int32),
            jax.ShapeDtypeStruct((BNK, CHW), jnp.int32),
            jax.ShapeDtypeStruct((BNK, PWG), F32),
        ],
        scratch_types=[
            pltpu.VMEM((nch, CH), jnp.int32),
            pltpu.VMEM((CH, CHW), jnp.int32),
            pltpu.VMEM((CH, CHW), jnp.int32),
            pltpu.VMEM((CH, CHW), jnp.int32),
            pltpu.VMEM((CH, CHW), jnp.int32),
            pltpu.VMEM((CH, PWG), F32),
            pltpu.VMEM((CH, PWG), F32),
            pltpu.SemaphoreType.DMA,
            pltpu.SemaphoreType.DMA,
        ],
    )
    def gather(idx_hbm, k_hbm, v_hbm, p_hbm, kg_hbm, vg_hbm, pg_hbm,
               idx_v, kba, kbb, vba, vbb, pba, pbb, sema, semb):
        cid = lax.axis_index("c")
        sid = lax.axis_index("s")
        wid = sid * 2 + cid
        pltpu.sync_copy(idx_hbm.at[pl.ds(wid * nch, nch)], idx_v)

        def start(ci, kb, vb, pb_, sem):
            irow = idx_v.at[ci]
            pltpu.async_copy(k_hbm.at[irow], kb, sem)
            pltpu.async_copy(v_hbm.at[irow], vb, sem)
            pltpu.async_copy(p_hbm.at[irow], pb_, sem)

        def drain_write(ci, kb, vb, pb_, sem):
            pltpu.make_async_copy(k_hbm.at[pl.ds(0, CH)], kb, sem).wait()
            pltpu.make_async_copy(v_hbm.at[pl.ds(0, CH)], vb, sem).wait()
            pltpu.make_async_copy(p_hbm.at[pl.ds(0, CH)], pb_, sem).wait()
            row0 = pl.multiple_of((wid * nch + ci) * CH, CH)
            pltpu.sync_copy(kb, kg_hbm.at[pl.ds(row0, CH)])
            pltpu.sync_copy(vb, vg_hbm.at[pl.ds(row0, CH)])
            pltpu.sync_copy(pb_, pg_hbm.at[pl.ds(row0, CH)])

        start(0, kba, vba, pba, sema)

        def body(j, _):
            c0 = 2 * j
            start(c0 + 1, kbb, vbb, pbb, semb)
            drain_write(c0, kba, vba, pba, sema)

            @pl.when(j < nch // 2 - 1)
            def _():
                start(c0 + 2, kba, vba, pba, sema)

            drain_write(c0 + 1, kbb, vbb, pbb, semb)
            return 0

        lax.fori_loop(0, nch // 2, body, 0)

    return gather(idx2d, ktab, vtab, ptab)


def _attn_body(q_ref, kg_ref, vg_ref, pg_ref, pb_ref, x_ref, s_ref,
               ms_ref, mm_ref, wr1_ref, gcol_ref, bcol_ref, wr2_ref,
               wproj_ref, r1_ref, s1_ref, ss1_ref):
    cnt = float(BNK)
    mean = ms_ref[...] / cnt
    cov = mm_ref[...] / cnt - _dot(mean, mean, 0, 0)
    w1 = wr1_ref[...]
    w1p = jnp.concatenate([w1, jnp.zeros((C, PW - 3), F32)], axis=1)
    mu = _dot(w1p, mean, 1, 1)
    wc = _dot(w1p, cov, 1, 1)
    var = jnp.sum(wc * w1p, axis=1, keepdims=True)
    sA = gcol_ref[...] * lax.rsqrt(var + EPS)
    shift = bcol_ref[...] - mu * sA
    weff = jnp.concatenate(
        [w1 * sA, shift, jnp.zeros((C, PW - 4), F32)], axis=1)

    rel = pg_ref[...][:, :PW] - jnp.broadcast_to(
        pb_ref[...][:, None, :], (TM, K, PW)).reshape(TM * K, PW)
    lane = lax.broadcasted_iota(jnp.int32, (1, PW), 1)
    rel = rel + jnp.where(lane == 3, 1.0, 0.0)

    h1 = jnp.maximum(_dot(rel, weff, 1, 1), 0.0)
    bias = _dot(h1, wr2_ref[...], 1, 1)
    biask = _dot(bias, s_ref[...], 1, 0).reshape(TM, K, H)

    q = q_ref[...]
    kg3 = _unpack_bf16(kg_ref[...]).reshape(TM, K, C)
    prod = (kg3 * q[:, None, :]).reshape(TM * K, C)
    lg = (_dot(prod, s_ref[...], 1, 0) * SCALE).reshape(TM, K, H)

    t = lg + biask
    mx = jnp.max(t, axis=1, keepdims=True)
    e = jnp.exp(t - mx)
    a = e / jnp.sum(e, axis=1, keepdims=True)
    aexp = _dot(a.reshape(TM * K, H), s_ref[...], 1, 1)
    wv = (aexp * _unpack_bf16(vg_ref[...])).reshape(TM, K, C)
    attnout = jnp.sum(wv, axis=1)
    out = _dot(attnout, wproj_ref[...], 1, 1)
    r1 = x_ref[...] + out
    r1_ref[...] = r1
    s1 = jnp.sum(r1, axis=0, keepdims=True)
    ss1 = jnp.sum(r1 * r1, axis=0, keepdims=True)
    i = pl.program_id(0)

    @pl.when(i == 0)
    def _():
        s1_ref[...] = s1
        ss1_ref[...] = ss1

    @pl.when(i > 0)
    def _():
        s1_ref[...] += s1
        ss1_ref[...] += ss1


def _attn(qtab, kg, vg, pg, ptab, xtab, smask, ms, mm,
          Wr1, gcol, bcol, Wr2, Wproj):
    nt = BN // TM
    return pl.pallas_call(
        _attn_body,
        grid=(nt,),
        in_specs=[
            pl.BlockSpec((TM, C), lambda i: (i, 0)),
            pl.BlockSpec((TM * K, CHW), lambda i: (i, 0)),
            pl.BlockSpec((TM * K, CHW), lambda i: (i, 0)),
            pl.BlockSpec((TM * K, PWG), lambda i: (i, 0)),
            pl.BlockSpec((TM, PW), lambda i: (i, 0)),
            pl.BlockSpec((TM, C), lambda i: (i, 0)),
            pl.BlockSpec((C, H), lambda i: (0, 0)),
            pl.BlockSpec((1, PW), lambda i: (0, 0)),
            pl.BlockSpec((PW, PW), lambda i: (0, 0)),
            pl.BlockSpec((C, 3), lambda i: (0, 0)),
            pl.BlockSpec((C, 1), lambda i: (0, 0)),
            pl.BlockSpec((C, 1), lambda i: (0, 0)),
            pl.BlockSpec((C, C), lambda i: (0, 0)),
            pl.BlockSpec((C, C), lambda i: (0, 0)),
        ],
        out_specs=[
            pl.BlockSpec((TM, C), lambda i: (i, 0)),
            pl.BlockSpec((1, C), lambda i: (0, 0)),
            pl.BlockSpec((1, C), lambda i: (0, 0)),
        ],
        out_shape=[
            jax.ShapeDtypeStruct((BN, C), F32),
            jax.ShapeDtypeStruct((1, C), F32),
            jax.ShapeDtypeStruct((1, C), F32),
        ],
    )(qtab, kg, vg, pg, ptab, xtab, smask, ms, mm,
      Wr1, gcol, bcol, Wr2, Wproj)


def _ffn_body(r1_ref, s1_ref, ss1_ref, wf1_ref, bf1_ref, wf2_ref, bf2_ref,
              g1_ref, b1_ref, r2_ref, s2_ref, ss2_ref):
    cnt = float(BN)
    mean = s1_ref[...] / cnt
    var = ss1_ref[...] / cnt - mean * mean
    rstd = lax.rsqrt(var + EPS)
    x1 = (r1_ref[...] - mean) * rstd * g1_ref[...] + b1_ref[...]
    f = jnp.maximum(_dot(x1, wf1_ref[...], 1, 1) + bf1_ref[...], 0.0)
    f2 = _dot(f, wf2_ref[...], 1, 1) + bf2_ref[...]
    r2 = x1 + f2
    r2_ref[...] = r2
    s2 = jnp.sum(r2, axis=0, keepdims=True)
    ss2 = jnp.sum(r2 * r2, axis=0, keepdims=True)
    i = pl.program_id(0)

    @pl.when(i == 0)
    def _():
        s2_ref[...] = s2
        ss2_ref[...] = ss2

    @pl.when(i > 0)
    def _():
        s2_ref[...] += s2
        ss2_ref[...] += ss2


def _ffn(r1, s1, ss1, Wf1, bf1row, Wf2, bf2row, g1row, b1row):
    nt = BN // TF
    C4 = 4 * C
    return pl.pallas_call(
        _ffn_body,
        grid=(nt,),
        in_specs=[
            pl.BlockSpec((TF, C), lambda i: (i, 0)),
            pl.BlockSpec((1, C), lambda i: (0, 0)),
            pl.BlockSpec((1, C), lambda i: (0, 0)),
            pl.BlockSpec((C4, C), lambda i: (0, 0)),
            pl.BlockSpec((1, C4), lambda i: (0, 0)),
            pl.BlockSpec((C, C4), lambda i: (0, 0)),
            pl.BlockSpec((1, C), lambda i: (0, 0)),
            pl.BlockSpec((1, C), lambda i: (0, 0)),
            pl.BlockSpec((1, C), lambda i: (0, 0)),
        ],
        out_specs=[
            pl.BlockSpec((TF, C), lambda i: (i, 0)),
            pl.BlockSpec((1, C), lambda i: (0, 0)),
            pl.BlockSpec((1, C), lambda i: (0, 0)),
        ],
        out_shape=[
            jax.ShapeDtypeStruct((BN, C), F32),
            jax.ShapeDtypeStruct((1, C), F32),
            jax.ShapeDtypeStruct((1, C), F32),
        ],
    )(r1, s1, ss1, Wf1, bf1row, Wf2, bf2row, g1row, b1row)


def _out_body(r2_ref, s2_ref, ss2_ref, g2_ref, b2_ref, o_ref):
    cnt = float(BN)
    mean = s2_ref[...] / cnt
    var = ss2_ref[...] / cnt - mean * mean
    rstd = lax.rsqrt(var + EPS)
    x2 = (r2_ref[...] - mean) * rstd * g2_ref[...] + b2_ref[...]
    o_ref[...] = x2.T[None]


def _outk(r2, s2, ss2, g2row, b2row):
    nj = N // TF
    return pl.pallas_call(
        _out_body,
        grid=(B, nj),
        in_specs=[
            pl.BlockSpec((TF, C), lambda b, j: (b * (N // TF) + j, 0)),
            pl.BlockSpec((1, C), lambda b, j: (0, 0)),
            pl.BlockSpec((1, C), lambda b, j: (0, 0)),
            pl.BlockSpec((1, C), lambda b, j: (0, 0)),
            pl.BlockSpec((1, C), lambda b, j: (0, 0)),
        ],
        out_specs=pl.BlockSpec((1, C, TF), lambda b, j: (b, 0, j)),
        out_shape=jax.ShapeDtypeStruct((B, C, N), F32),
    )(r2, s2, ss2, g2row, b2row)


def kernel(x, xyz, Wq, Wkv, Wproj, Wr1, bn_r_g, bn_r_b, Wr2,
           n1_g, n1_b, n2_g, n2_b, Wf1, bf1, Wf2, bf2):
    smask = (jnp.arange(C)[:, None] // D == jnp.arange(H)[None, :]).astype(F32)

    xtab, qtab, ktab, vtab, ptab, ptabw = _prep(x, xyz, Wq, Wkv)
    idx, ms, mm = _knn(ptab)
    kg, vg, pg = _gather_sc(idx.reshape(BNK // CH, CH), ktab, vtab, ptabw)
    r1, s1, ss1 = _attn(qtab, kg, vg, pg, ptab, xtab, smask, ms, mm,
                        Wr1, bn_r_g.reshape(C, 1), bn_r_b.reshape(C, 1),
                        Wr2, Wproj)
    r2, s2, ss2 = _ffn(r1, s1, ss1, Wf1, bf1.reshape(1, 4 * C),
                       Wf2, bf2.reshape(1, C),
                       n1_g.reshape(1, C), n1_b.reshape(1, C))
    return _outk(r2, s2, ss2, n2_g.reshape(1, C), n2_b.reshape(1, C))

# --- scband reference (transcript-rebuilt; emitter-appended) ---
"""Pipeline reference for scband-local-point-transformer-14018773254175 (READ-ONLY COPY).

The authoritative reference and input builder live on the scoring server;
editing this copy changes nothing except your own understanding.
"""

import jax, jax.numpy as jnp
import numpy as np

B, C, N, H, K = 2, 256, 2048, 8, 16

def setup_inputs(seed: int = 0) -> dict:
    key = jax.random.key(seed)
    ks = jax.random.split(key, 12)
    C4 = 4 * C
    return {
        "x": jax.random.normal(ks[0], (B, C, N), jnp.float32),
        "xyz": jax.random.normal(ks[1], (B, 3, N), jnp.float32),
        "Wq": jax.random.normal(ks[2], (C, C), jnp.float32) * 0.05,
        "Wkv": jax.random.normal(ks[3], (2 * C, C), jnp.float32) * 0.05,
        "Wproj": jax.random.normal(ks[4], (C, C), jnp.float32) * 0.05,
        "Wr1": jax.random.normal(ks[5], (C, 3), jnp.float32) * 0.05,
        "bn_r_g": jnp.ones((C,), jnp.float32),
        "bn_r_b": jnp.zeros((C,), jnp.float32),
        "Wr2": jax.random.normal(ks[6], (C, C), jnp.float32) * 0.05,
        "n1_g": jnp.ones((C,), jnp.float32),
        "n1_b": jnp.zeros((C,), jnp.float32),
        "n2_g": jnp.ones((C,), jnp.float32),
        "n2_b": jnp.zeros((C,), jnp.float32),
        "Wf1": jax.random.normal(ks[7], (C4, C), jnp.float32) * 0.05,
        "bf1": jnp.zeros((C4,), jnp.float32),
        "Wf2": jax.random.normal(ks[8], (C, C4), jnp.float32) * 0.05,
        "bf2": jnp.zeros((C,), jnp.float32),
    }

def reference(x, xyz, Wq, Wkv, Wproj, Wr1, bn_r_g, bn_r_b, Wr2, n1_g, n1_b, n2_g, n2_b, Wf1, bf1, Wf2, bf2):
    d = C // H
    scale = d ** (-0.5)
    eps = 1e-5
    # kNN over pairwise squared distances
    pts = jnp.transpose(xyz, (0, 2, 1))  # [B,N,3]
    sq = jnp.sum(pts ** 2, axis=-1)
    d2 = sq[:, :, None] + sq[:, None, :] - 2.0 * jnp.einsum('bnc,bmc->bnm', pts, pts)
    _, idx = jax.lax.top_k(-d2, K)  # [B,N,K]

    q = jnp.einsum('oc,bcn->bon', Wq, x).reshape(B, H, d, N)
    kv = jnp.einsum('oc,bcn->bon', Wkv, x)
    kf = kv[:, :C, :].reshape(B, H, d, N)
    vf = kv[:, C:, :].reshape(B, H, d, N)

    bidx = jnp.arange(B)[:, None, None]

    def gather_knn(feat):
        fbn = jnp.transpose(feat, (0, 3, 1, 2)).reshape(B, N, H * d)
        g = fbn[bidx, idx]  # [B,N,K,H*d]
        return jnp.transpose(g.reshape(B, N, K, H, d), (0, 3, 4, 1, 2))  # [B,H,d,N,K]

    k_knn = gather_knn(kf)
    v_knn = gather_knn(vf)

    attn_logits = jnp.einsum('bhdn,bhdnk->bhnk', q, k_knn) * scale

    nbr = pts[bidx, idx]  # [B,N,K,3]
    rel = jnp.transpose(nbr - pts[:, :, None, :], (0, 3, 2, 1))  # [B,3,K,N]
    h1 = jnp.einsum('oc,bckn->bokn', Wr1, rel)
    mu = jnp.mean(h1, axis=(0, 2, 3), keepdims=True)
    var = jnp.var(h1, axis=(0, 2, 3), keepdims=True)
    h1 = (h1 - mu) / jnp.sqrt(var + eps) * bn_r_g[None, :, None, None] + bn_r_b[None, :, None, None]
    h1 = jax.nn.relu(h1)
    rel_bias = jnp.einsum('oc,bckn->bokn', Wr2, h1)  # [B,C,K,N]
    rel_bias = jnp.sum(jnp.transpose(rel_bias.reshape(B, H, d, K, N), (0, 1, 4, 3, 2)), axis=-1)  # [B,H,N,K]

    attn = jax.nn.softmax(attn_logits + rel_bias, axis=-1)
    out = jnp.einsum('bhdnk,bhnk->bhdn', v_knn, attn).reshape(B, C, N)
    out = jnp.einsum('oc,bcn->bon', Wproj, out)

    def bn1d(t, g, b):
        m = jnp.mean(t, axis=(0, 2), keepdims=True)
        v = jnp.var(t, axis=(0, 2), keepdims=True)
        return (t - m) / jnp.sqrt(v + eps) * g[None, :, None] + b[None, :, None]

    x1 = bn1d(x + out, n1_g, n1_b)
    f = jnp.einsum('oc,bcn->bon', Wf1, x1) + bf1[None, :, None]
    f = jax.nn.relu(f)
    f = jnp.einsum('oc,bcn->bon', Wf2, f) + bf2[None, :, None]
    x2 = bn1d(x1 + f, n2_g, n2_b)
    return x2

if __name__ == "__main__":
    import jax
    _d = setup_inputs()
    print(jax.jit(kernel)(*tuple(_d.values())))

</pallas_src>

<mosaic_0001>
#map = affine_map<(d0, d1) -> (0, 0)>
module attributes {stable_mosaic.version = 14 : i64} {
  func.func @gather(%arg0: i32, %arg1: i32, %arg2: memref<512x128xi32, #tpu.memory_space<hbm>>, %arg3: memref<4096x128xi32, #tpu.memory_space<hbm>>, %arg4: memref<4096x128xi32, #tpu.memory_space<hbm>>, %arg5: memref<4096x128xf32, #tpu.memory_space<hbm>>, %arg6: memref<65536x128xi32, #tpu.memory_space<hbm>>, %arg7: memref<65536x128xi32, #tpu.memory_space<hbm>>, %arg8: memref<65536x128xf32, #tpu.memory_space<hbm>>, %arg9: memref<16x128xi32, #tpu.memory_space<vmem>>, %arg10: memref<128x128xi32, #tpu.memory_space<vmem>>, %arg11: memref<128x128xi32, #tpu.memory_space<vmem>>, %arg12: memref<128x128xi32, #tpu.memory_space<vmem>>, %arg13: memref<128x128xi32, #tpu.memory_space<vmem>>, %arg14: memref<128x128xf32, #tpu.memory_space<vmem>>, %arg15: memref<128x128xf32, #tpu.memory_space<vmem>>, %arg16: memref<!tpu.dma_semaphore, #tpu.memory_space<semaphore_mem>>, %arg17: memref<!tpu.dma_semaphore, #tpu.memory_space<semaphore_mem>>) attributes {dimension_semantics = [#tpu.dimension_semantics<core_parallel>, #tpu.dimension_semantics<subcore_parallel>], iteration_bounds = array<i64: 2, 16>, scalar_prefetch = 0 : i64, scratch_operands = 9 : i64, tpu.core_type = #tpu.core_type<sc_vector_subcore>, window_params = [{transform_indices = #map}, {transform_indices = #map}, {transform_indices = #map}, {transform_indices = #map}, {transform_indices = #map}, {transform_indices = #map}, {transform_indices = #map}]} {
    %mul3A = arith.constant 2 : i32
    %mul3A_0 = arith.muli %arg1, %mul3A : i32
    %add3A = arith.addi %mul3A_0, %arg0 : i32
    %mul3A_1 = arith.constant 16 : i32
    %mul3A_2 = arith.muli %add3A, %mul3A_1 : i32
    "tpu.region"() ({
      %run_scoped3A = tpu.sem_alloc : memref<!tpu.dma_semaphore, #tpu.memory_space<semaphore_mem>>
      %dma_start3A_29 = arith.constant 0 : i32
      %dma_start3A_30 = tpu.memref_slice %arg2[%mul3A_2, %dma_start3A_29] : memref<512x128xi32, #tpu.memory_space<hbm>> -> memref<16x128xi32, #tpu.memory_space<hbm>>
      %dma_start3A_31 = arith.constant 0 : i32
      %dma_start3A_32 = tpu.memref_slice %arg2[%mul3A_2, %dma_start3A_31] : memref<512x128xi32, #tpu.memory_space<hbm>> -> memref<16x128xi32, #tpu.memory_space<hbm>>
      tpu.enqueue_dma source(%dma_start3A_32 : memref<16x128xi32, #tpu.memory_space<hbm>>) target(%arg9 : memref<16x128xi32, #tpu.memory_space<vmem>>) target_semaphore(%run_scoped3A : memref<!tpu.dma_semaphore, #tpu.memory_space<semaphore_mem>>)
      %dma_wait3A = arith.constant 0 : i32
      %dma_wait3A_33 = tpu.memref_slice %arg2[%mul3A_2, %dma_wait3A] : memref<512x128xi32, #tpu.memory_space<hbm>> -> memref<16x128xi32, #tpu.memory_space<hbm>>
      %dma_wait3A_34 = arith.constant 0 : i32
      %dma_wait3A_35 = tpu.memref_slice %arg2[%mul3A_2, %dma_wait3A_34] : memref<512x128xi32, #tpu.memory_space<hbm>> -> memref<16x128xi32, #tpu.memory_space<hbm>>
      tpu.wait_dma2 semaphore(%run_scoped3A : memref<!tpu.dma_semaphore, #tpu.memory_space<semaphore_mem>>) src(%dma_wait3A_35 : memref<16x128xi32, #tpu.memory_space<hbm>>) dst(%arg9 : memref<16x128xi32, #tpu.memory_space<vmem>>)
      tpu.yield
    }) : () -> ()
    %dma_start3A = arith.constant 0 : i32
    %dma_start3A_3 = arith.constant 0 : i32
    %dma_start3A_4 = tpu.memref_slice %arg9[%dma_start3A, %dma_start3A_3] : memref<16x128xi32, #tpu.memory_space<vmem>> -> memref<1x128xi32, #tpu.memory_space<vmem>>
    %dma_start3A_5 = tpu.memref_squeeze %dma_start3A_4 : memref<1x128xi32, #tpu.memory_space<vmem>> -> memref<128xi32, #tpu.memory_space<vmem>>
    %dma_start3A_6 = arith.constant 0 : i32
    %dma_start3A_7 = arith.constant 0 : i32
    %dma_start3A_8 = tpu.memref_slice %arg3[%dma_start3A_6, %dma_start3A_7] : memref<4096x128xi32, #tpu.memory_space<hbm>> -> memref<4096x128xi32, #tpu.memory_space<hbm>>
    tpu.enqueue_indirect_dma source(%dma_start3A_8 : memref<4096x128xi32, #tpu.memory_space<hbm>>) target(%arg10 : memref<128x128xi32, #tpu.memory_space<vmem>>) offsets(%dma_start3A_5 : memref<128xi32, #tpu.memory_space<vmem>>) semaphore(%arg16 : memref<!tpu.dma_semaphore, #tpu.memory_space<semaphore_mem>>)
    %dma_start3A_9 = arith.constant 0 : i32
    %dma_start3A_10 = arith.constant 0 : i32
    %dma_start3A_11 = tpu.memref_slice %arg9[%dma_start3A_9, %dma_start3A_10] : memref<16x128xi32, #tpu.memory_space<vmem>> -> memref<1x128xi32, #tpu.memory_space<vmem>>
    %dma_start3A_12 = tpu.memref_squeeze %dma_start3A_11 : memref<1x128xi32, #tpu.memory_space<vmem>> -> memref<128xi32, #tpu.memory_space<vmem>>
    %dma_start3A_13 = arith.constant 0 : i32
    %dma_start3A_14 = arith.constant 0 : i32
    %dma_start3A_15 = tpu.memref_slice %arg4[%dma_start3A_13, %dma_start3A_14] : memref<4096x128xi32, #tpu.memory_space<hbm>> -> memref<4096x128xi32, #tpu.memory_space<hbm>>
    tpu.enqueue_indirect_dma source(%dma_start3A_15 : memref<4096x128xi32, #tpu.memory_space<hbm>>) target(%arg12 : memref<128x128xi32, #tpu.memory_space<vmem>>) offsets(%dma_start3A_12 : memref<128xi32, #tpu.memory_space<vmem>>) semaphore(%arg16 : memref<!tpu.dma_semaphore, #tpu.memory_space<semaphore_mem>>)
    %dma_start3A_16 = arith.constant 0 : i32
    %dma_start3A_17 = arith.constant 0 : i32
    %dma_start3A_18 = tpu.memref_slice %arg9[%dma_start3A_16, %dma_start3A_17] : memref<16x128xi32, #tpu.memory_space<vmem>> -> memref<1x128xi32, #tpu.memory_space<vmem>>
    %dma_start3A_19 = tpu.memref_squeeze %dma_start3A_18 : memref<1x128xi32, #tpu.memory_space<vmem>> -> memref<128xi32, #tpu.memory_space<vmem>>
    %dma_start3A_20 = arith.constant 0 : i32
    %dma_start3A_21 = arith.constant 0 : i32
    %dma_start3A_22 = tpu.memref_slice %arg5[%dma_start3A_20, %dma_start3A_21] : memref<4096x128xf32, #tpu.memory_space<hbm>> -> memref<4096x128xf32, #tpu.memory_space<hbm>>
    tpu.enqueue_indirect_dma source(%dma_start3A_22 : memref<4096x128xf32, #tpu.memory_space<hbm>>) target(%arg14 : memref<128x128xf32, #tpu.memory_space<vmem>>) offsets(%dma_start3A_19 : memref<128xi32, #tpu.memory_space<vmem>>) semaphore(%arg16 : memref<!tpu.dma_semaphore, #tpu.memory_space<semaphore_mem>>)
    %scan3A = arith.constant 0 : i32
    %scan3A_23 = arith.constant 0 : i32
    %scan3A_24 = arith.constant 8 : i32
    %scan3A_25 = arith.addi %scan3A_23, %scan3A_24 : i32
    %scan3A_26 = arith.constant 1 : i32
    %scan3A_27 = scf.for %scan3A_29 = %scan3A_23 to %scan3A_25 step %scan3A_26 iter_args(%scan3A_30 = %scan3A) -> (i32)  : i32 {
      %mul3A_31 = arith.constant 2 : i32
      %mul3A_32 = arith.muli %mul3A_31, %scan3A_29 : i32
      %add3A_33 = arith.constant 1 : i32
      %add3A_34 = arith.addi %mul3A_32, %add3A_33 : i32
      %dma_start3A_35 = arith.constant 0 : i32
      %dma_start3A_36 = tpu.memref_slice %arg9[%add3A_34, %dma_start3A_35] : memref<16x128xi32, #tpu.memory_space<vmem>> -> memref<1x128xi32, #tpu.memory_space<vmem>>
      %dma_start3A_37 = tpu.memref_squeeze %dma_start3A_36 : memref<1x128xi32, #tpu.memory_space<vmem>> -> memref<128xi32, #tpu.memory_space<vmem>>
      %dma_start3A_38 = arith.constant 0 : i32
      %dma_start3A_39 = arith.constant 0 : i32
      %dma_start3A_40 = tpu.memref_slice %arg3[%dma_start3A_38, %dma_start3A_39] : memref<4096x128xi32, #tpu.memory_space<hbm>> -> memref<4096x128xi32, #tpu.memory_space<hbm>>
      tpu.enqueue_indirect_dma source(%dma_start3A_40 : memref<4096x128xi32, #tpu.memory_space<hbm>>) target(%arg11 : memref<128x128xi32, #tpu.memory_space<vmem>>) offsets(%dma_start3A_37 : memref<128xi32, #tpu.memory_space<vmem>>) semaphore(%arg17 : memref<!tpu.dma_semaphore, #tpu.memory_space<semaphore_mem>>)
      %dma_start3A_41 = arith.constant 0 : i32
      %dma_start3A_42 = tpu.memref_slice %arg9[%add3A_34, %dma_start3A_41] : memref<16x128xi32, #tpu.memory_space<vmem>> -> memref<1x128xi32, #tpu.memory_space<vmem>>
      %dma_start3A_43 = tpu.memref_squeeze %dma_start3A_42 : memref<1x128xi32, #tpu.memory_space<vmem>> -> memref<128xi32, #tpu.memory_space<vmem>>
      %dma_start3A_44 = arith.constant 0 : i32
      %dma_start3A_45 = arith.constant 0 : i32
      %dma_start3A_46 = tpu.memref_slice %arg4[%dma_start3A_44, %dma_start3A_45] : memref<4096x128xi32, #tpu.memory_space<hbm>> -> memref<4096x128xi32, #tpu.memory_space<hbm>>
      tpu.enqueue_indirect_dma source(%dma_start3A_46 : memref<4096x128xi32, #tpu.memory_space<hbm>>) target(%arg13 : memref<128x128xi32, #tpu.memory_space<vmem>>) offsets(%dma_start3A_43 : memref<128xi32, #tpu.memory_space<vmem>>) semaphore(%arg17 : memref<!tpu.dma_semaphore, #tpu.memory_space<semaphore_mem>>)
      %dma_start3A_47 = arith.constant 0 : i32
      %dma_start3A_48 = tpu.memref_slice %arg9[%add3A_34, %dma_start3A_47] : memref<16x128xi32, #tpu.memory_space<vmem>> -> memref<1x128xi32, #tpu.memory_space<vmem>>
      %dma_start3A_49 = tpu.memref_squeeze %dma_start3A_48 : memref<1x128xi32, #tpu.memory_space<vmem>> -> memref<128xi32, #tpu.memory_space<vmem>>
      %dma_start3A_50 = arith.constant 0 : i32
      %dma_start3A_51 = arith.constant 0 : i32
      %dma_start3A_52 = tpu.memref_slice %arg5[%dma_start3A_50, %dma_start3A_51] : memref<4096x128xf32, #tpu.memory_space<hbm>> -> memref<4096x128xf32, #tpu.memory_space<hbm>>
      tpu.enqueue_indirect_dma source(%dma_start3A_52 : memref<4096x128xf32, #tpu.memory_space<hbm>>) target(%arg15 : memref<128x128xf32, #tpu.memory_space<vmem>>) offsets(%dma_start3A_49 : memref<128xi32, #tpu.memory_space<vmem>>) semaphore(%arg17 : memref<!tpu.dma_semaphore, #tpu.memory_space<semaphore_mem>>)
      %dma_wait3A = arith.constant 0 : i32
      %dma_wait3A_53 = arith.constant 0 : i32
      %dma_wait3A_54 = tpu.memref_slice %arg3[%dma_wait3A, %dma_wait3A_53] : memref<4096x128xi32, #tpu.memory_space<hbm>> -> memref<128x128xi32, #tpu.memory_space<hbm>>
      %dma_wait3A_55 = arith.constant 0 : i32
      %dma_wait3A_56 = arith.constant 0 : i32
      %dma_wait3A_57 = tpu.memref_slice %arg3[%dma_wait3A_55, %dma_wait3A_56] : memref<4096x128xi32, #tpu.memory_space<hbm>> -> memref<128x128xi32, #tpu.memory_space<hbm>>
      tpu.wait_dma2 semaphore(%arg16 : memref<!tpu.dma_semaphore, #tpu.memory_space<semaphore_mem>>) src(%dma_wait3A_57 : memref<128x128xi32, #tpu.memory_space<hbm>>) dst(%arg10 : memref<128x128xi32, #tpu.memory_space<vmem>>)
      %dma_wait3A_58 = arith.constant 0 : i32
      %dma_wait3A_59 = arith.constant 0 : i32
      %dma_wait3A_60 = tpu.memref_slice %arg4[%dma_wait3A_58, %dma_wait3A_59] : memref<4096x128xi32, #tpu.memory_space<hbm>> -> memref<128x128xi32, #tpu.memory_space<hbm>>
      %dma_wait3A_61 = arith.constant 0 : i32
      %dma_wait3A_62 = arith.constant 0 : i32
      %dma_wait3A_63 = tpu.memref_slice %arg4[%dma_wait3A_61, %dma_wait3A_62] : memref<4096x128xi32, #tpu.memory_space<hbm>> -> memref<128x128xi32, #tpu.memory_space<hbm>>
      tpu.wait_dma2 semaphore(%arg16 : memref<!tpu.dma_semaphore, #tpu.memory_space<semaphore_mem>>) src(%dma_wait3A_63 : memref<128x128xi32, #tpu.memory_space<hbm>>) dst(%arg12 : memref<128x128xi32, #tpu.memory_space<vmem>>)
      %dma_wait3A_64 = arith.constant 0 : i32
      %dma_wait3A_65 = arith.constant 0 : i32
      %dma_wait3A_66 = tpu.memref_slice %arg5[%dma_wait3A_64, %dma_wait3A_65] : memref<4096x128xf32, #tpu.memory_space<hbm>> -> memref<128x128xf32, #tpu.memory_space<hbm>>
      %dma_wait3A_67 = arith.constant 0 : i32
      %dma_wait3A_68 = arith.constant 0 : i32
      %dma_wait3A_69 = tpu.memref_slice %arg5[%dma_wait3A_67, %dma_wait3A_68] : memref<4096x128xf32, #tpu.memory_space<hbm>> -> memref<128x128xf32, #tpu.memory_space<hbm>>
      tpu.wait_dma2 semaphore(%arg16 : memref<!tpu.dma_semaphore, #tpu.memory_space<semaphore_mem>>) src(%dma_wait3A_69 : memref<128x128xf32, #tpu.memory_space<hbm>>) dst(%arg14 : memref<128x128xf32, #tpu.memory_space<vmem>>)
      %mul3A_70 = arith.constant 16 : i32
      %mul3A_71 = arith.muli %add3A, %mul3A_70 : i32
      %add3A_72 = arith.addi %mul3A_71, %mul3A_32 : i32
      %mul3A_73 = arith.constant 128 : i32
      %mul3A_74 = arith.muli %add3A_72, %mul3A_73 : i32
      %multiple_of3A = tpu.assume_multiple %mul3A_74, 128 : i32
      "tpu.region"() ({
        %run_scoped3A = tpu.sem_alloc : memref<!tpu.dma_semaphore, #tpu.memory_space<semaphore_mem>>
        %dma_start3A_104 = arith.constant 0 : i32
        %dma_start3A_105 = tpu.memref_slice %arg6[%multiple_of3A, %dma_start3A_104] : memref<65536x128xi32, #tpu.memory_space<hbm>> -> memref<128x128xi32, #tpu.memory_space<hbm>>
        %dma_start3A_106 = arith.constant 0 : i32
        %dma_start3A_107 = tpu.memref_slice %arg6[%multiple_of3A, %dma_start3A_106] : memref<65536x128xi32, #tpu.memory_space<hbm>> -> memref<128x128xi32, #tpu.memory_space<hbm>>
        tpu.enqueue_dma source(%arg10 : memref<128x128xi32, #tpu.memory_space<vmem>>) target(%dma_start3A_107 : memref<128x128xi32, #tpu.memory_space<hbm>>) target_semaphore(%run_scoped3A : memref<!tpu.dma_semaphore, #tpu.memory_space<semaphore_mem>>)
        %dma_wait3A_108 = arith.constant 0 : i32
        %dma_wait3A_109 = tpu.memref_slice %arg6[%multiple_of3A, %dma_wait3A_108] : memref<65536x128xi32, #tpu.memory_space<hbm>> -> memref<128x128xi32, #tpu.memory_space<hbm>>
        %dma_wait3A_110 = arith.constant 0 : i32
        %dma_wait3A_111 = tpu.memref_slice %arg6[%multiple_of3A, %dma_wait3A_110] : memref<65536x128xi32, #tpu.memory_space<hbm>> -> memref<128x128xi32, #tpu.memory_space<hbm>>
        tpu.wait_dma2 semaphore(%run_scoped3A : memref<!tpu.dma_semaphore, #tpu.memory_space<semaphore_mem>>) src(%arg10 : memref<128x128xi32, #tpu.memory_space<vmem>>) dst(%dma_wait3A_111 : memref<128x128xi32, #tpu.memory_space<hbm>>)
        tpu.yield
      }) : () -> ()
      "tpu.region"() ({
        %run_scoped3A = tpu.sem_alloc : memref<!tpu.dma_semaphore, #tpu.memory_space<semaphore_mem>>
        %dma_start3A_104 = arith.constant 0 : i32
        %dma_start3A_105 = tpu.memref_slice %arg7[%multiple_of3A, %dma_start3A_104] : memref<65536x128xi32, #tpu.memory_space<hbm>> -> memref<128x128xi32, #tpu.memory_space<hbm>>
        %dma_start3A_106 = arith.constant 0 : i32
        %dma_start3A_107 = tpu.memref_slice %arg7[%multiple_of3A, %dma_start3A_106] : memref<65536x128xi32, #tpu.memory_space<hbm>> -> memref<128x128xi32, #tpu.memory_space<hbm>>
        tpu.enqueue_dma source(%arg12 : memref<128x128xi32, #tpu.memory_space<vmem>>) target(%dma_start3A_107 : memref<128x128xi32, #tpu.memory_space<hbm>>) target_semaphore(%run_scoped3A : memref<!tpu.dma_semaphore, #tpu.memory_space<semaphore_mem>>)
        %dma_wait3A_108 = arith.constant 0 : i32
        %dma_wait3A_109 = tpu.memref_slice %arg7[%multiple_of3A, %dma_wait3A_108] : memref<65536x128xi32, #tpu.memory_space<hbm>> -> memref<128x128xi32, #tpu.memory_space<hbm>>
        %dma_wait3A_110 = arith.constant 0 : i32
        %dma_wait3A_111 = tpu.memref_slice %arg7[%multiple_of3A, %dma_wait3A_110] : memref<65536x128xi32, #tpu.memory_space<hbm>> -> memref<128x128xi32, #tpu.memory_space<hbm>>
        tpu.wait_dma2 semaphore(%run_scoped3A : memref<!tpu.dma_semaphore, #tpu.memory_space<semaphore_mem>>) src(%arg12 : memref<128x128xi32, #tpu.memory_space<vmem>>) dst(%dma_wait3A_111 : memref<128x128xi32, #tpu.memory_space<hbm>>)
        tpu.yield
      }) : () -> ()
      "tpu.region"() ({
        %run_scoped3A = tpu.sem_alloc : memref<!tpu.dma_semaphore, #tpu.memory_space<semaphore_mem>>
        %dma_start3A_104 = arith.constant 0 : i32
        %dma_start3A_105 = tpu.memref_slice %arg8[%multiple_of3A, %dma_start3A_104] : memref<65536x128xf32, #tpu.memory_space<hbm>> -> memref<128x128xf32, #tpu.memory_space<hbm>>
        %dma_start3A_106 = arith.constant 0 : i32
        %dma_start3A_107 = tpu.memref_slice %arg8[%multiple_of3A, %dma_start3A_106] : memref<65536x128xf32, #tpu.memory_space<hbm>> -> memref<128x128xf32, #tpu.memory_space<hbm>>
        tpu.enqueue_dma source(%arg14 : memref<128x128xf32, #tpu.memory_space<vmem>>) target(%dma_start3A_107 : memref<128x128xf32, #tpu.memory_space<hbm>>) target_semaphore(%run_scoped3A : memref<!tpu.dma_semaphore, #tpu.memory_space<semaphore_mem>>)
        %dma_wait3A_108 = arith.constant 0 : i32
        %dma_wait3A_109 = tpu.memref_slice %arg8[%multiple_of3A, %dma_wait3A_108] : memref<65536x128xf32, #tpu.memory_space<hbm>> -> memref<128x128xf32, #tpu.memory_space<hbm>>
        %dma_wait3A_110 = arith.constant 0 : i32
        %dma_wait3A_111 = tpu.memref_slice %arg8[%multiple_of3A, %dma_wait3A_110] : memref<65536x128xf32, #tpu.memory_space<hbm>> -> memref<128x128xf32, #tpu.memory_space<hbm>>
        tpu.wait_dma2 semaphore(%run_scoped3A : memref<!tpu.dma_semaphore, #tpu.memory_space<semaphore_mem>>) src(%arg14 : memref<128x128xf32, #tpu.memory_space<vmem>>) dst(%dma_wait3A_111 : memref<128x128xf32, #tpu.memory_space<hbm>>)
        tpu.yield
      }) : () -> ()
      %lt3A = arith.constant 7 : i32
      %lt3A_75 = arith.cmpi slt, %scan3A_29, %lt3A : i32
      %convert_element_type3A = arith.extui %lt3A_75 : i1 to i32
      %cond3A = arith.constant 0 : i32
      %cond3A_76 = arith.cmpi ne, %convert_element_type3A, %cond3A : i32
      scf.if %cond3A_76 {
        %add3A_104 = arith.constant 2 : i32
        %add3A_105 = arith.addi %mul3A_32, %add3A_104 : i32
        %dma_start3A_106 = arith.constant 0 : i32
        %dma_start3A_107 = tpu.memref_slice %arg9[%add3A_105, %dma_start3A_106] : memref<16x128xi32, #tpu.memory_space<vmem>> -> memref<1x128xi32, #tpu.memory_space<vmem>>
        %dma_start3A_108 = tpu.memref_squeeze %dma_start3A_107 : memref<1x128xi32, #tpu.memory_space<vmem>> -> memref<128xi32, #tpu.memory_space<vmem>>
        %dma_start3A_109 = arith.constant 0 : i32
        %dma_start3A_110 = arith.constant 0 : i32
        %dma_start3A_111 = tpu.memref_slice %arg3[%dma_start3A_109, %dma_start3A_110] : memref<4096x128xi32, #tpu.memory_space<hbm>> -> memref<4096x128xi32, #tpu.memory_space<hbm>>
        tpu.enqueue_indirect_dma source(%dma_start3A_111 : memref<4096x128xi32, #tpu.memory_space<hbm>>) target(%arg10 : memref<128x128xi32, #tpu.memory_space<vmem>>) offsets(%dma_start3A_108 : memref<128xi32, #tpu.memory_space<vmem>>) semaphore(%arg16 : memref<!tpu.dma_semaphore, #tpu.memory_space<semaphore_mem>>)
        %dma_start3A_112 = arith.constant 0 : i32
        %dma_start3A_113 = tpu.memref_slice %arg9[%add3A_105, %dma_start3A_112] : memref<16x128xi32, #tpu.memory_space<vmem>> -> memref<1x128xi32, #tpu.memory_space<vmem>>
        %dma_start3A_114 = tpu.memref_squeeze %dma_start3A_113 : memref<1x128xi32, #tpu.memory_space<vmem>> -> memref<128xi32, #tpu.memory_space<vmem>>
        %dma_start3A_115 = arith.constant 0 : i32
        %dma_start3A_116 = arith.constant 0 : i32
        %dma_start3A_117 = tpu.memref_slice %arg4[%dma_start3A_115, %dma_start3A_116] : memref<4096x128xi32, #tpu.memory_space<hbm>> -> memref<4096x128xi32, #tpu.memory_space<hbm>>
        tpu.enqueue_indirect_dma source(%dma_start3A_117 : memref<4096x128xi32, #tpu.memory_space<hbm>>) target(%arg12 : memref<128x128xi32, #tpu.memory_space<vmem>>) offsets(%dma_start3A_114 : memref<128xi32, #tpu.memory_space<vmem>>) semaphore(%arg16 : memref<!tpu.dma_semaphore, #tpu.memory_space<semaphore_mem>>)
        %dma_start3A_118 = arith.constant 0 : i32
        %dma_start3A_119 = tpu.memref_slice %arg9[%add3A_105, %dma_start3A_118] : memref<16x128xi32, #tpu.memory_space<vmem>> -> memref<1x128xi32, #tpu.memory_space<vmem>>
        %dma_start3A_120 = tpu.memref_squeeze %dma_start3A_119 : memref<1x128xi32, #tpu.memory_space<vmem>> -> memref<128xi32, #tpu.memory_space<vmem>>
        %dma_start3A_121 = arith.constant 0 : i32
        %dma_start3A_122 = arith.constant 0 : i32
        %dma_start3A_123 = tpu.memref_slice %arg5[%dma_start3A_121, %dma_start3A_122] : memref<4096x128xf32, #tpu.memory_space<hbm>> -> memref<4096x128xf32, #tpu.memory_space<hbm>>
        tpu.enqueue_indirect_dma source(%dma_start3A_123 : memref<4096x128xf32, #tpu.memory_space<hbm>>) target(%arg14 : memref<128x128xf32, #tpu.memory_space<vmem>>) offsets(%dma_start3A_120 : memref<128xi32, #tpu.memory_space<vmem>>) semaphore(%arg16 : memref<!tpu.dma_semaphore, #tpu.memory_space<semaphore_mem>>)
      } else {
      }
      %add3A_77 = arith.constant 1 : i32
      %add3A_78 = arith.addi %mul3A_32, %add3A_77 : i32
      %dma_wait3A_79 = arith.constant 0 : i32
      %dma_wait3A_80 = arith.constant 0 : i32
      %dma_wait3A_81 = tpu.memref_slice %arg3[%dma_wait3A_79, %dma_wait3A_80] : memref<4096x128xi32, #tpu.memory_space<hbm>> -> memref<128x128xi32, #tpu.memory_space<hbm>>
      %dma_wait3A_82 = arith.constant 0 : i32
      %dma_wait3A_83 = arith.constant 0 : i32
      %dma_wait3A_84 = tpu.memref_slice %arg3[%dma_wait3A_82, %dma_wait3A_83] : memref<4096x128xi32, #tpu.memory_space<hbm>> -> memref<128x128xi32, #tpu.memory_space<hbm>>
      tpu.wait_dma2 semaphore(%arg17 : memref<!tpu.dma_semaphore, #tpu.memory_space<semaphore_mem>>) src(%dma_wait3A_84 : memref<128x128xi32, #tpu.memory_space<hbm>>) dst(%arg11 : memref<128x128xi32, #tpu.memory_space<vmem>>)
      %dma_wait3A_85 = arith.constant 0 : i32
      %dma_wait3A_86 = arith.constant 0 : i32
      %dma_wait3A_87 = tpu.memref_slice %arg4[%dma_wait3A_85, %dma_wait3A_86] : memref<4096x128xi32, #tpu.memory_space<hbm>> -> memref<128x128xi32, #tpu.memory_space<hbm>>
      %dma_wait3A_88 = arith.constant 0 : i32
      %dma_wait3A_89 = arith.constant 0 : i32
      %dma_wait3A_90 = tpu.memref_slice %arg4[%dma_wait3A_88, %dma_wait3A_89] : memref<4096x128xi32, #tpu.memory_space<hbm>> -> memref<128x128xi32, #tpu.memory_space<hbm>>
      tpu.wait_dma2 semaphore(%arg17 : memref<!tpu.dma_semaphore, #tpu.memory_space<semaphore_mem>>) src(%dma_wait3A_90 : memref<128x128xi32, #tpu.memory_space<hbm>>) dst(%arg13 : memref<128x128xi32, #tpu.memory_space<vmem>>)
      %dma_wait3A_91 = arith.constant 0 : i32
      %dma_wait3A_92 = arith.constant 0 : i32
      %dma_wait3A_93 = tpu.memref_slice %arg5[%dma_wait3A_91, %dma_wait3A_92] : memref<4096x128xf32, #tpu.memory_space<hbm>> -> memref<128x128xf32, #tpu.memory_space<hbm>>
      %dma_wait3A_94 = arith.constant 0 : i32
      %dma_wait3A_95 = arith.constant 0 : i32
      %dma_wait3A_96 = tpu.memref_slice %arg5[%dma_wait3A_94, %dma_wait3A_95] : memref<4096x128xf32, #tpu.memory_space<hbm>> -> memref<128x128xf32, #tpu.memory_space<hbm>>
      tpu.wait_dma2 semaphore(%arg17 : memref<!tpu.dma_semaphore, #tpu.memory_space<semaphore_mem>>) src(%dma_wait3A_96 : memref<128x128xf32, #tpu.memory_space<hbm>>) dst(%arg15 : memref<128x128xf32, #tpu.memory_space<vmem>>)
      %mul3A_97 = arith.constant 16 : i32
      %mul3A_98 = arith.muli %add3A, %mul3A_97 : i32
      %add3A_99 = arith.addi %mul3A_98, %add3A_78 : i32
      %mul3A_100 = arith.constant 128 : i32
      %mul3A_101 = arith.muli %add3A_99, %mul3A_100 : i32
      %multiple_of3A_102 = tpu.assume_multiple %mul3A_101, 128 : i32
      "tpu.region"() ({
        %run_scoped3A = tpu.sem_alloc : memref<!tpu.dma_semaphore, #tpu.memory_space<semaphore_mem>>
        %dma_start3A_104 = arith.constant 0 : i32
        %dma_start3A_105 = tpu.memref_slice %arg6[%multiple_of3A_102, %dma_start3A_104] : memref<65536x128xi32, #tpu.memory_space<hbm>> -> memref<128x128xi32, #tpu.memory_space<hbm>>
        %dma_start3A_106 = arith.constant 0 : i32
        %dma_start3A_107 = tpu.memref_slice %arg6[%multiple_of3A_102, %dma_start3A_106] : memref<65536x128xi32, #tpu.memory_space<hbm>> -> memref<128x128xi32, #tpu.memory_space<hbm>>
        tpu.enqueue_dma source(%arg11 : memref<128x128xi32, #tpu.memory_space<vmem>>) target(%dma_start3A_107 : memref<128x128xi32, #tpu.memory_space<hbm>>) target_semaphore(%run_scoped3A : memref<!tpu.dma_semaphore, #tpu.memory_space<semaphore_mem>>)
        %dma_wait3A_108 = arith.constant 0 : i32
        %dma_wait3A_109 = tpu.memref_slice %arg6[%multiple_of3A_102, %dma_wait3A_108] : memref<65536x128xi32, #tpu.memory_space<hbm>> -> memref<128x128xi32, #tpu.memory_space<hbm>>
        %dma_wait3A_110 = arith.constant 0 : i32
        %dma_wait3A_111 = tpu.memref_slice %arg6[%multiple_of3A_102, %dma_wait3A_110] : memref<65536x128xi32, #tpu.memory_space<hbm>> -> memref<128x128xi32, #tpu.memory_space<hbm>>
        tpu.wait_dma2 semaphore(%run_scoped3A : memref<!tpu.dma_semaphore, #tpu.memory_space<semaphore_mem>>) src(%arg11 : memref<128x128xi32, #tpu.memory_space<vmem>>) dst(%dma_wait3A_111 : memref<128x128xi32, #tpu.memory_space<hbm>>)
        tpu.yield
      }) : () -> ()
      "tpu.region"() ({
        %run_scoped3A = tpu.sem_alloc : memref<!tpu.dma_semaphore, #tpu.memory_space<semaphore_mem>>
        %dma_start3A_104 = arith.constant 0 : i32
        %dma_start3A_105 = tpu.memref_slice %arg7[%multiple_of3A_102, %dma_start3A_104] : memref<65536x128xi32, #tpu.memory_space<hbm>> -> memref<128x128xi32, #tpu.memory_space<hbm>>
        %dma_start3A_106 = arith.constant 0 : i32
        %dma_start3A_107 = tpu.memref_slice %arg7[%multiple_of3A_102, %dma_start3A_106] : memref<65536x128xi32, #tpu.memory_space<hbm>> -> memref<128x128xi32, #tpu.memory_space<hbm>>
        tpu.enqueue_dma source(%arg13 : memref<128x128xi32, #tpu.memory_space<vmem>>) target(%dma_start3A_107 : memref<128x128xi32, #tpu.memory_space<hbm>>) target_semaphore(%run_scoped3A : memref<!tpu.dma_semaphore, #tpu.memory_space<semaphore_mem>>)
        %dma_wait3A_108 = arith.constant 0 : i32
        %dma_wait3A_109 = tpu.memref_slice %arg7[%multiple_of3A_102, %dma_wait3A_108] : memref<65536x128xi32, #tpu.memory_space<hbm>> -> memref<128x128xi32, #tpu.memory_space<hbm>>
        %dma_wait3A_110 = arith.constant 0 : i32
        %dma_wait3A_111 = tpu.memref_slice %arg7[%multiple_of3A_102, %dma_wait3A_110] : memref<65536x128xi32, #tpu.memory_space<hbm>> -> memref<128x128xi32, #tpu.memory_space<hbm>>
        tpu.wait_dma2 semaphore(%run_scoped3A : memref<!tpu.dma_semaphore, #tpu.memory_space<semaphore_mem>>) src(%arg13 : memref<128x128xi32, #tpu.memory_space<vmem>>) dst(%dma_wait3A_111 : memref<128x128xi32, #tpu.memory_space<hbm>>)
        tpu.yield
      }) : () -> ()
      "tpu.region"() ({
        %run_scoped3A = tpu.sem_alloc : memref<!tpu.dma_semaphore, #tpu.memory_space<semaphore_mem>>
        %dma_start3A_104 = arith.constant 0 : i32
        %dma_start3A_105 = tpu.memref_slice %arg8[%multiple_of3A_102, %dma_start3A_104] : memref<65536x128xf32, #tpu.memory_space<hbm>> -> memref<128x128xf32, #tpu.memory_space<hbm>>
        %dma_start3A_106 = arith.constant 0 : i32
        %dma_start3A_107 = tpu.memref_slice %arg8[%multiple_of3A_102, %dma_start3A_106] : memref<65536x128xf32, #tpu.memory_space<hbm>> -> memref<128x128xf32, #tpu.memory_space<hbm>>
        tpu.enqueue_dma source(%arg15 : memref<128x128xf32, #tpu.memory_space<vmem>>) target(%dma_start3A_107 : memref<128x128xf32, #tpu.memory_space<hbm>>) target_semaphore(%run_scoped3A : memref<!tpu.dma_semaphore, #tpu.memory_space<semaphore_mem>>)
        %dma_wait3A_108 = arith.constant 0 : i32
        %dma_wait3A_109 = tpu.memref_slice %arg8[%multiple_of3A_102, %dma_wait3A_108] : memref<65536x128xf32, #tpu.memory_space<hbm>> -> memref<128x128xf32, #tpu.memory_space<hbm>>
        %dma_wait3A_110 = arith.constant 0 : i32
        %dma_wait3A_111 = tpu.memref_slice %arg8[%multiple_of3A_102, %dma_wait3A_110] : memref<65536x128xf32, #tpu.memory_space<hbm>> -> memref<128x128xf32, #tpu.memory_space<hbm>>
        tpu.wait_dma2 semaphore(%run_scoped3A : memref<!tpu.dma_semaphore, #tpu.memory_space<semaphore_mem>>) src(%arg15 : memref<128x128xf32, #tpu.memory_space<vmem>>) dst(%dma_wait3A_111 : memref<128x128xf32, #tpu.memory_space<hbm>>)
        tpu.yield
      }) : () -> ()
      %scan3A_103 = arith.constant 0 : i32
      scf.yield %scan3A_103 : i32
    }
    %scan3A_28 = arith.constant 8 : i32
    return
  }
}

module attributes {stable_mosaic.version = 14 : i64} {
  func.func @_prep_body(%arg0: i32, %arg1: i32, %arg2: memref<1x256x512xf32, #tpu.memory_space<vmem>>, %arg3: memref<1x3x512xf32, #tpu.memory_space<vmem>>, %arg4: memref<256x256xf32, #tpu.memory_space<vmem>>, %arg5: memref<512x256xf32, #tpu.memory_space<vmem>>, %arg6: memref<512x256xf32, #tpu.memory_space<vmem>>, %arg7: memref<512x256xf32, #tpu.memory_space<vmem>>, %arg8: memref<512x128xi32, #tpu.memory_space<vmem>>, %arg9: memref<512x128xi32, #tpu.memory_space<vmem>>, %arg10: memref<512x16xf32, #tpu.memory_space<vmem>>, %arg11: memref<512x128xf32, #tpu.memory_space<vmem>>) attributes {dimension_semantics = [#tpu.dimension_semantics<arbitrary>, #tpu.dimension_semantics<arbitrary>], iteration_bounds = array<i64: 2, 4>, scalar_prefetch = 0 : i64, scratch_operands = 0 : i64, tpu.core_type = #tpu.core_type<tc>, window_params = [{transform_indices = @transform_0, window_bounds = array<i64: 1, 256, 512>}, {transform_indices = @transform_1, window_bounds = array<i64: 1, 3, 512>}, {pipeline_mode = #tpu.pipeline_mode<synchronous>, transform_indices = @transform_2, window_bounds = array<i64: 256, 256>}, {pipeline_mode = #tpu.pipeline_mode<synchronous>, transform_indices = @transform_3, window_bounds = array<i64: 512, 256>}, {transform_indices = @transform_4, window_bounds = array<i64: 512, 256>}, {transform_indices = @transform_5, window_bounds = array<i64: 512, 256>}, {transform_indices = @transform_6, window_bounds = array<i64: 512, 128>}, {transform_indices = @transform_7, window_bounds = array<i64: 512, 128>}, {transform_indices = @transform_8, window_bounds = array<i64: 512, 16>}, {transform_indices = @transform_9, window_bounds = array<i64: 512, 128>}]} {
    %get3A = arith.constant 0 : index
    %get3A_0 = arith.constant 0 : index
    %get3A_1 = arith.constant 0 : index
    %get3A_2 = vector.load %arg2[%get3A, %get3A_0, %get3A_1] : memref<1x256x512xf32, #tpu.memory_space<vmem>>, vector<1x256x512xf32>
    %get3A_3 = vector.shape_cast %get3A_2 : vector<1x256x512xf32> to vector<256x512xf32>
    %transpose3A = tpu.transpose %get3A_3, [1, 0] : vector<256x512xf32> -> vector<512x256xf32>
    %swap3A = arith.constant 0 : index
    %swap3A_4 = arith.constant 0 : index
    %swap3A_5 = vector.load %arg6[%swap3A, %swap3A_4] : memref<512x256xf32, #tpu.memory_space<vmem>>, vector<512x256xf32>
    tpu.vector_store %arg6[%swap3A, %swap3A_4], %transpose3A {strides = array<i32>} : memref<512x256xf32, #tpu.memory_space<vmem>>, vector<512x256xf32>,
    %get3A_6 = arith.constant 0 : index
    %get3A_7 = arith.constant 0 : index
    %get3A_8 = vector.load %arg4[%get3A_6, %get3A_7] : memref<256x256xf32, #tpu.memory_space<vmem>>, vector<256x256xf32>
    %dot_general3A = arith.constant dense<0.000000e+00> : vector<512x256xf32>
    %dot_general3A_9 = tpu.matmul %transpose3A, %get3A_8, %dot_general3A {dimension_numbers = #tpu.dot_dimension_numbers<[1], [1], [0], [0], [0, 0, 1, 0], [], []>, transpose_lhs_hint = false} : vector<512x256xf32>, vector<256x256xf32>, vector<512x256xf32> -> vector<512x256xf32>
    %swap3A_10 = arith.constant 0 : index
    %swap3A_11 = arith.constant 0 : index
    %swap3A_12 = vector.load %arg7[%swap3A_10, %swap3A_11] : memref<512x256xf32, #tpu.memory_space<vmem>>, vector<512x256xf32>
    tpu.vector_store %arg7[%swap3A_10, %swap3A_11], %dot_general3A_9 {strides = array<i32>} : memref<512x256xf32, #tpu.memory_space<vmem>>, vector<512x256xf32>,
    %get3A_13 = arith.constant 0 : index
    %get3A_14 = arith.constant 0 : index
    %get3A_15 = vector.load %arg5[%get3A_13, %get3A_14] : memref<512x256xf32, #tpu.memory_space<vmem>>, vector<512x256xf32>
    %dot_general3A_16 = arith.constant dense<0.000000e+00> : vector<512x512xf32>
    %dot_general3A_17 = tpu.matmul %transpose3A, %get3A_15, %dot_general3A_16 {dimension_numbers = #tpu.dot_dimension_numbers<[1], [1], [0], [0], [0, 0, 1, 0], [], []>, transpose_lhs_hint = false} : vector<512x256xf32>, vector<512x256xf32>, vector<512x512xf32> -> vector<512x512xf32>
    %slice3A = vector.extract_strided_slice %dot_general3A_17 {offsets = [0, 0], sizes = [512, 128], strides = [1, 1]} : vector<512x512xf32> to vector<512x128xf32>
    %slice3A_18 = vector.extract_strided_slice %dot_general3A_17 {offsets = [0, 128], sizes = [512, 128], strides = [1, 1]} : vector<512x512xf32> to vector<512x128xf32>
    %convert_element_type3A = arith.truncf %slice3A : vector<512x128xf32> to vector<512x128xbf16>
    %bitcast_convert_type3A = tpu.bitcast %convert_element_type3A : vector<512x128xbf16> -> vector<512x128xi16>
    %convert_element_type3A_19 = arith.truncf %slice3A_18 : vector<512x128xf32> to vector<512x128xbf16>
    %bitcast_convert_type3A_20 = tpu.bitcast %convert_element_type3A_19 : vector<512x128xbf16> -> vector<512x128xi16>
    %convert_element_type3A_21 = arith.extui %bitcast_convert_type3A : vector<512x128xi16> to vector<512x128xi32>
    %convert_element_type3A_22 = arith.extui %bitcast_convert_type3A_20 : vector<512x128xi16> to vector<512x128xi32>
    %shift_left3A = arith.constant 16 : i32
    %shift_left3A_23 = vector.broadcast %shift_left3A : i32 to vector<512x128xi32>
    %shift_left3A_24 = arith.shli %convert_element_type3A_22, %shift_left3A_23 : vector<512x128xi32>
    %or3A = arith.ori %convert_element_type3A_21, %shift_left3A_24 : vector<512x128xi32>
    %swap3A_25 = arith.constant 0 : index
    %swap3A_26 = arith.constant 0 : index
    %swap3A_27 = vector.load %arg8[%swap3A_25, %swap3A_26] : memref<512x128xi32, #tpu.memory_space<vmem>>, vector<512x128xi32>
    tpu.vector_store %arg8[%swap3A_25, %swap3A_26], %or3A {strides = array<i32>} : memref<512x128xi32, #tpu.memory_space<vmem>>, vector<512x128xi32>,
    %slice3A_28 = vector.extract_strided_slice %dot_general3A_17 {offsets = [0, 256], sizes = [512, 128], strides = [1, 1]} : vector<512x512xf32> to vector<512x128xf32>
    %slice3A_29 = vector.extract_strided_slice %dot_general3A_17 {offsets = [0, 384], sizes = [512, 128], strides = [1, 1]} : vector<512x512xf32> to vector<512x128xf32>
    %convert_element_type3A_30 = arith.truncf %slice3A_28 : vector<512x128xf32> to vector<512x128xbf16>
    %bitcast_convert_type3A_31 = tpu.bitcast %convert_element_type3A_30 : vector<512x128xbf16> -> vector<512x128xi16>
    %convert_element_type3A_32 = arith.truncf %slice3A_29 : vector<512x128xf32> to vector<512x128xbf16>
    %bitcast_convert_type3A_33 = tpu.bitcast %convert_element_type3A_32 : vector<512x128xbf16> -> vector<512x128xi16>
    %convert_element_type3A_34 = arith.extui %bitcast_convert_type3A_31 : vector<512x128xi16> to vector<512x128xi32>
    %convert_element_type3A_35 = arith.extui %bitcast_convert_type3A_33 : vector<512x128xi16> to vector<512x128xi32>
    %shift_left3A_36 = arith.constant 16 : i32
    %shift_left3A_37 = vector.broadcast %shift_left3A_36 : i32 to vector<512x128xi32>
    %shift_left3A_38 = arith.shli %convert_element_type3A_35, %shift_left3A_37 : vector<512x128xi32>
    %or3A_39 = arith.ori %convert_element_type3A_34, %shift_left3A_38 : vector<512x128xi32>
    %swap3A_40 = arith.constant 0 : index
    %swap3A_41 = arith.constant 0 : index
    %swap3A_42 = vector.load %arg9[%swap3A_40, %swap3A_41] : memref<512x128xi32, #tpu.memory_space<vmem>>, vector<512x128xi32>
    tpu.vector_store %arg9[%swap3A_40, %swap3A_41], %or3A_39 {strides = array<i32>} : memref<512x128xi32, #tpu.memory_space<vmem>>, vector<512x128xi32>,
    %get3A_43 = arith.constant 0 : index
    %get3A_44 = arith.constant 0 : index
    %get3A_45 = arith.constant 0 : index
    %get3A_46 = vector.load %arg3[%get3A_43, %get3A_44, %get3A_45] : memref<1x3x512xf32, #tpu.memory_space<vmem>>, vector<1x3x512xf32>
    %get3A_47 = vector.shape_cast %get3A_46 : vector<1x3x512xf32> to vector<3x512xf32>
    %broadcast_in_dim3A = arith.constant 0.000000e+00 : f32
    %broadcast_in_dim3A_48 = vector.broadcast %broadcast_in_dim3A : f32 to vector<13x512xf32>
    %concatenate3A = tpu.concatenate %get3A_47, %broadcast_in_dim3A_48 in 0 : vector<3x512xf32>, vector<13x512xf32> -> vector<16x512xf32>
    %transpose3A_49 = tpu.transpose %concatenate3A, [1, 0] : vector<16x512xf32> -> vector<512x16xf32>
    %swap3A_50 = arith.constant 0 : index
    %swap3A_51 = arith.constant 0 : index
    %swap3A_52 = vector.load %arg10[%swap3A_50, %swap3A_51] : memref<512x16xf32, #tpu.memory_space<vmem>>, vector<512x16xf32>
    tpu.vector_store %arg10[%swap3A_50, %swap3A_51], %transpose3A_49 {strides = array<i32>} : memref<512x16xf32, #tpu.memory_space<vmem>>, vector<512x16xf32>,
    %broadcast_in_dim3A_53 = arith.constant 0.000000e+00 : f32
    %broadcast_in_dim3A_54 = vector.broadcast %broadcast_in_dim3A_53 : f32 to vector<512x112xf32>
    %concatenate3A_55 = tpu.concatenate %transpose3A_49, %broadcast_in_dim3A_54 in 1 : vector<512x16xf32>, vector<512x112xf32> -> vector<512x128xf32>
    %swap3A_56 = arith.constant 0 : index
    %swap3A_57 = arith.constant 0 : index
    %swap3A_58 = vector.load %arg11[%swap3A_56, %swap3A_57] : memref<512x128xf32, #tpu.memory_space<vmem>>, vector<512x128xf32>
    tpu.vector_store %arg11[%swap3A_56, %swap3A_57], %concatenate3A_55 {strides = array<i32>} : memref<512x128xf32, #tpu.memory_space<vmem>>, vector<512x128xf32>,
    return
  }
  func.func @transform_0(%arg0: i32, %arg1: i32) -> (i32, i32, i32) {
    %c0_i32 = arith.constant 0 : i32
    %c0_i32_0 = arith.constant 0 : i32
    return %arg0, %c0_i32, %arg1 : i32, i32, i32
  }
  func.func @transform_1(%arg0: i32, %arg1: i32) -> (i32, i32, i32) {
    %c0_i32 = arith.constant 0 : i32
    %c0_i32_0 = arith.constant 0 : i32
    return %arg0, %c0_i32, %arg1 : i32, i32, i32
  }
  func.func @transform_2(%arg0: i32, %arg1: i32) -> (i32, i32) {
    %c0_i32 = arith.constant 0 : i32
    %c0_i32_0 = arith.constant 0 : i32
    %c0_i32_1 = arith.constant 0 : i32
    return %c0_i32, %c0_i32_0 : i32, i32
  }
  func.func @transform_3(%arg0: i32, %arg1: i32) -> (i32, i32) {
    %c0_i32 = arith.constant 0 : i32
    %c0_i32_0 = arith.constant 0 : i32
    %c0_i32_1 = arith.constant 0 : i32
    return %c0_i32, %c0_i32_0 : i32, i32
  }
  func.func @transform_4(%arg0: i32, %arg1: i32) -> (i32, i32) {
    %mul3A = arith.constant 4 : i32
    %mul3A_0 = arith.muli %arg0, %mul3A : i32
    %add3A = arith.addi %mul3A_0, %arg1 : i32
    %c0_i32 = arith.constant 0 : i32
    %c0_i32_1 = arith.constant 0 : i32
    return %add3A, %c0_i32 : i32, i32
  }
  func.func @transform_5(%arg0: i32, %arg1: i32) -> (i32, i32) {
    %mul3A = arith.constant 4 : i32
    %mul3A_0 = arith.muli %arg0, %mul3A : i32
    %add3A = arith.addi %mul3A_0, %arg1 : i32
    %c0_i32 = arith.constant 0 : i32
    %c0_i32_1 = arith.constant 0 : i32
    return %add3A, %c0_i32 : i32, i32
  }
  func.func @transform_6(%arg0: i32, %arg1: i32) -> (i32, i32) {
    %mul3A = arith.constant 4 : i32
    %mul3A_0 = arith.muli %arg0, %mul3A : i32
    %add3A = arith.addi %mul3A_0, %arg1 : i32
    %c0_i32 = arith.constant 0 : i32
    %c0_i32_1 = arith.constant 0 : i32
    return %add3A, %c0_i32 : i32, i32
  }
  func.func @transform_7(%arg0: i32, %arg1: i32) -> (i32, i32) {
    %mul3A = arith.constant 4 : i32
    %mul3A_0 = arith.muli %arg0, %mul3A : i32
    %add3A = arith.addi %mul3A_0, %arg1 : i32
    %c0_i32 = arith.constant 0 : i32
    %c0_i32_1 = arith.constant 0 : i32
    return %add3A, %c0_i32 : i32, i32
  }
  func.func @transform_8(%arg0: i32, %arg1: i32) -> (i32, i32) {
    %mul3A = arith.constant 4 : i32
    %mul3A_0 = arith.muli %arg0, %mul3A : i32
    %add3A = arith.addi %mul3A_0, %arg1 : i32
    %c0_i32 = arith.constant 0 : i32
    %c0_i32_1 = arith.constant 0 : i32
    return %add3A, %c0_i32 : i32, i32
  }
  func.func @transform_9(%arg0: i32, %arg1: i32) -> (i32, i32) {
    %mul3A = arith.constant 4 : i32
    %mul3A_0 = arith.muli %arg0, %mul3A : i32
    %add3A = arith.addi %mul3A_0, %arg1 : i32
    %c0_i32 = arith.constant 0 : i32
    %c0_i32_1 = arith.constant 0 : i32
    return %add3A, %c0_i32 : i32, i32
  }
}

module attributes {stable_mosaic.version = 14 : i64} {
  func.func @_knn_body(%arg0: i32, %arg1: i32, %arg2: memref<256x16xf32, #tpu.memory_space<vmem>>, %arg3: memref<2048x16xf32, #tpu.memory_space<vmem>>, %arg4: memref<256x16xi32, #tpu.memory_space<vmem>>, %arg5: memref<1x16xf32, #tpu.memory_space<vmem>>, %arg6: memref<16x16xf32, #tpu.memory_space<vmem>>) attributes {dimension_semantics = [#tpu.dimension_semantics<arbitrary>, #tpu.dimension_semantics<arbitrary>], iteration_bounds = array<i64: 2, 8>, scalar_prefetch = 0 : i64, scratch_operands = 0 : i64, tpu.core_type = #tpu.core_type<tc>, window_params = [{transform_indices = @transform_0, window_bounds = array<i64: 256, 16>}, {transform_indices = @transform_1, window_bounds = array<i64: 2048, 16>}, {transform_indices = @transform_2, window_bounds = array<i64: 256, 16>}, {pipeline_mode = #tpu.pipeline_mode<synchronous>, transform_indices = @transform_3, window_bounds = array<i64: 1, 16>}, {pipeline_mode = #tpu.pipeline_mode<synchronous>, transform_indices = @transform_4, window_bounds = array<i64: 16, 16>}]} {
    %get3A = arith.constant 0 : index
    %get3A_0 = arith.constant 0 : index
    %get3A_1 = vector.load %arg2[%get3A, %get3A_0] : memref<256x16xf32, #tpu.memory_space<vmem>>, vector<256x16xf32>
    %get3A_2 = arith.constant 0 : index
    %get3A_3 = arith.constant 0 : index
    %get3A_4 = vector.load %arg3[%get3A_2, %get3A_3] : memref<2048x16xf32, #tpu.memory_space<vmem>>, vector<2048x16xf32>
    %dot_general3A = arith.constant dense<0.000000e+00> : vector<256x2048xf32>
    %dot_general3A_5 = tpu.matmul %get3A_1, %get3A_4, %dot_general3A {dimension_numbers = #tpu.dot_dimension_numbers<[1], [1], [0], [0], [0, 0, 1, 0], [], []>, transpose_lhs_hint = false} : vector<256x16xf32>, vector<2048x16xf32>, vector<256x2048xf32> -> vector<256x2048xf32>
    %broadcast_in_dim3A = arith.constant 1.000000e+00 : f32
    %broadcast_in_dim3A_6 = vector.broadcast %broadcast_in_dim3A : f32 to vector<1x16xf32>
    %mul3A = arith.mulf %get3A_4, %get3A_4 : vector<2048x16xf32>
    %dot_general3A_7 = arith.constant dense<0.000000e+00> : vector<1x2048xf32>
    %dot_general3A_8 = tpu.matmul %broadcast_in_dim3A_6, %mul3A, %dot_general3A_7 {dimension_numbers = #tpu.dot_dimension_numbers<[1], [1], [0], [0], [0, 0, 1, 0], [], []>, precision = #tpu.contract_precision<fp32>, transpose_lhs_hint = false} : vector<1x16xf32>, vector<2048x16xf32>, vector<1x2048xf32> -> vector<1x2048xf32>
    %mul3A_9 = arith.constant 2.000000e+00 : f32
    %mul3A_10 = vector.broadcast %mul3A_9 : f32 to vector<256x2048xf32>
    %mul3A_11 = arith.mulf %mul3A_10, %dot_general3A_5 : vector<256x2048xf32>
    %sub3A = vector.broadcast %dot_general3A_8 : vector<1x2048xf32> to vector<256x2048xf32>
    %sub3A_12 = arith.subf %sub3A, %mul3A_11 : vector<256x2048xf32>
    %iota3A = tpu.iota {dimensions = array<i32: 1>} : vector<256x2048xi32>
    %argmin3A = tpu.reduce_index %sub3A_12 {axis = 1 : i32, kind = #tpu.reduction_kind<arg_min>} : vector<256x2048xf32> -> vector<256xi32>
    %broadcast_in_dim3A_13 = vector.shape_cast %argmin3A : vector<256xi32> to vector<256x1xi32>
    %eq3A = vector.broadcast %broadcast_in_dim3A_13 : vector<256x1xi32> to vector<256x2048xi32>
    %eq3A_14 = arith.cmpi eq, %iota3A, %eq3A : vector<256x2048xi32>
    %jit3A = arith.constant 3.000000e+38 : f32
    %broadcast_in_dim3A_15 = vector.broadcast %jit3A : f32 to vector<256x2048xf32>
    %select_n3A = arith.select %eq3A_14, %broadcast_in_dim3A_15, %sub3A_12 : vector<256x2048xi1>, vector<256x2048xf32>
    %argmin3A_16 = tpu.reduce_index %select_n3A {axis = 1 : i32, kind = #tpu.reduction_kind<arg_min>} : vector<256x2048xf32> -> vector<256xi32>
    %broadcast_in_dim3A_17 = vector.shape_cast %argmin3A_16 : vector<256xi32> to vector<256x1xi32>
    %eq3A_18 = vector.broadcast %broadcast_in_dim3A_17 : vector<256x1xi32> to vector<256x2048xi32>
    %eq3A_19 = arith.cmpi eq, %iota3A, %eq3A_18 : vector<256x2048xi32>
    %jit3A_20 = arith.constant 3.000000e+38 : f32
    %broadcast_in_dim3A_21 = vector.broadcast %jit3A_20 : f32 to vector<256x2048xf32>
    %select_n3A_22 = arith.select %eq3A_19, %broadcast_in_dim3A_21, %select_n3A : vector<256x2048xi1>, vector<256x2048xf32>
    %argmin3A_23 = tpu.reduce_index %select_n3A_22 {axis = 1 : i32, kind = #tpu.reduction_kind<arg_min>} : vector<256x2048xf32> -> vector<256xi32>
    %broadcast_in_dim3A_24 = vector.shape_cast %argmin3A_23 : vector<256xi32> to vector<256x1xi32>
    %eq3A_25 = vector.broadcast %broadcast_in_dim3A_24 : vector<256x1xi32> to vector<256x2048xi32>
    %eq3A_26 = arith.cmpi eq, %iota3A, %eq3A_25 : vector<256x2048xi32>
    %jit3A_27 = arith.constant 3.000000e+38 : f32
    %broadcast_in_dim3A_28 = vector.broadcast %jit3A_27 : f32 to vector<256x2048xf32>
    %select_n3A_29 = arith.select %eq3A_26, %broadcast_in_dim3A_28, %select_n3A_22 : vector<256x2048xi1>, vector<256x2048xf32>
    %argmin3A_30 = tpu.reduce_index %select_n3A_29 {axis = 1 : i32, kind = #tpu.reduction_kind<arg_min>} : vector<256x2048xf32> -> vector<256xi32>
    %broadcast_in_dim3A_31 = vector.shape_cast %argmin3A_30 : vector<256xi32> to vector<256x1xi32>
    %eq3A_32 = vector.broadcast %broadcast_in_dim3A_31 : vector<256x1xi32> to vector<256x2048xi32>
    %eq3A_33 = arith.cmpi eq, %iota3A, %eq3A_32 : vector<256x2048xi32>
    %jit3A_34 = arith.constant 3.000000e+38 : f32
    %broadcast_in_dim3A_35 = vector.broadcast %jit3A_34 : f32 to vector<256x2048xf32>
    %select_n3A_36 = arith.select %eq3A_33, %broadcast_in_dim3A_35, %select_n3A_29 : vector<256x2048xi1>, vector<256x2048xf32>
    %argmin3A_37 = tpu.reduce_index %select_n3A_36 {axis = 1 : i32, kind = #tpu.reduction_kind<arg_min>} : vector<256x2048xf32> -> vector<256xi32>
    %broadcast_in_dim3A_38 = vector.shape_cast %argmin3A_37 : vector<256xi32> to vector<256x1xi32>
    %eq3A_39 = vector.broadcast %broadcast_in_dim3A_38 : vector<256x1xi32> to vector<256x2048xi32>
    %eq3A_40 = arith.cmpi eq, %iota3A, %eq3A_39 : vector<256x2048xi32>
    %jit3A_41 = arith.constant 3.000000e+38 : f32
    %broadcast_in_dim3A_42 = vector.broadcast %jit3A_41 : f32 to vector<256x2048xf32>
    %select_n3A_43 = arith.select %eq3A_40, %broadcast_in_dim3A_42, %select_n3A_36 : vector<256x2048xi1>, vector<256x2048xf32>
    %argmin3A_44 = tpu.reduce_index %select_n3A_43 {axis = 1 : i32, kind = #tpu.reduction_kind<arg_min>} : vector<256x2048xf32> -> vector<256xi32>
    %broadcast_in_dim3A_45 = vector.shape_cast %argmin3A_44 : vector<256xi32> to vector<256x1xi32>
    %eq3A_46 = vector.broadcast %broadcast_in_dim3A_45 : vector<256x1xi32> to vector<256x2048xi32>
    %eq3A_47 = arith.cmpi eq, %iota3A, %eq3A_46 : vector<256x2048xi32>
    %jit3A_48 = arith.constant 3.000000e+38 : f32
    %broadcast_in_dim3A_49 = vector.broadcast %jit3A_48 : f32 to vector<256x2048xf32>
    %select_n3A_50 = arith.select %eq3A_47, %broadcast_in_dim3A_49, %select_n3A_43 : vector<256x2048xi1>, vector<256x2048xf32>
    %argmin3A_51 = tpu.reduce_index %select_n3A_50 {axis = 1 : i32, kind = #tpu.reduction_kind<arg_min>} : vector<256x2048xf32> -> vector<256xi32>
    %broadcast_in_dim3A_52 = vector.shape_cast %argmin3A_51 : vector<256xi32> to vector<256x1xi32>
    %eq3A_53 = vector.broadcast %broadcast_in_dim3A_52 : vector<256x1xi32> to vector<256x2048xi32>
    %eq3A_54 = arith.cmpi eq, %iota3A, %eq3A_53 : vector<256x2048xi32>
    %jit3A_55 = arith.constant 3.000000e+38 : f32
    %broadcast_in_dim3A_56 = vector.broadcast %jit3A_55 : f32 to vector<256x2048xf32>
    %select_n3A_57 = arith.select %eq3A_54, %broadcast_in_dim3A_56, %select_n3A_50 : vector<256x2048xi1>, vector<256x2048xf32>
    %argmin3A_58 = tpu.reduce_index %select_n3A_57 {axis = 1 : i32, kind = #tpu.reduction_kind<arg_min>} : vector<256x2048xf32> -> vector<256xi32>
    %broadcast_in_dim3A_59 = vector.shape_cast %argmin3A_58 : vector<256xi32> to vector<256x1xi32>
    %eq3A_60 = vector.broadcast %broadcast_in_dim3A_59 : vector<256x1xi32> to vector<256x2048xi32>
    %eq3A_61 = arith.cmpi eq, %iota3A, %eq3A_60 : vector<256x2048xi32>
    %jit3A_62 = arith.constant 3.000000e+38 : f32
    %broadcast_in_dim3A_63 = vector.broadcast %jit3A_62 : f32 to vector<256x2048xf32>
    %select_n3A_64 = arith.select %eq3A_61, %broadcast_in_dim3A_63, %select_n3A_57 : vector<256x2048xi1>, vector<256x2048xf32>
    %argmin3A_65 = tpu.reduce_index %select_n3A_64 {axis = 1 : i32, kind = #tpu.reduction_kind<arg_min>} : vector<256x2048xf32> -> vector<256xi32>
    %broadcast_in_dim3A_66 = vector.shape_cast %argmin3A_65 : vector<256xi32> to vector<256x1xi32>
    %eq3A_67 = vector.broadcast %broadcast_in_dim3A_66 : vector<256x1xi32> to vector<256x2048xi32>
    %eq3A_68 = arith.cmpi eq, %iota3A, %eq3A_67 : vector<256x2048xi32>
    %jit3A_69 = arith.constant 3.000000e+38 : f32
    %broadcast_in_dim3A_70 = vector.broadcast %jit3A_69 : f32 to vector<256x2048xf32>
    %select_n3A_71 = arith.select %eq3A_68, %broadcast_in_dim3A_70, %select_n3A_64 : vector<256x2048xi1>, vector<256x2048xf32>
    %argmin3A_72 = tpu.reduce_index %select_n3A_71 {axis = 1 : i32, kind = #tpu.reduction_kind<arg_min>} : vector<256x2048xf32> -> vector<256xi32>
    %broadcast_in_dim3A_73 = vector.shape_cast %argmin3A_72 : vector<256xi32> to vector<256x1xi32>
    %eq3A_74 = vector.broadcast %broadcast_in_dim3A_73 : vector<256x1xi32> to vector<256x2048xi32>
    %eq3A_75 = arith.cmpi eq, %iota3A, %eq3A_74 : vector<256x2048xi32>
    %jit3A_76 = arith.constant 3.000000e+38 : f32
    %broadcast_in_dim3A_77 = vector.broadcast %jit3A_76 : f32 to vector<256x2048xf32>
    %select_n3A_78 = arith.select %eq3A_75, %broadcast_in_dim3A_77, %select_n3A_71 : vector<256x2048xi1>, vector<256x2048xf32>
    %argmin3A_79 = tpu.reduce_index %select_n3A_78 {axis = 1 : i32, kind = #tpu.reduction_kind<arg_min>} : vector<256x2048xf32> -> vector<256xi32>
    %broadcast_in_dim3A_80 = vector.shape_cast %argmin3A_79 : vector<256xi32> to vector<256x1xi32>
    %eq3A_81 = vector.broadcast %broadcast_in_dim3A_80 : vector<256x1xi32> to vector<256x2048xi32>
    %eq3A_82 = arith.cmpi eq, %iota3A, %eq3A_81 : vector<256x2048xi32>
    %jit3A_83 = arith.constant 3.000000e+38 : f32
    %broadcast_in_dim3A_84 = vector.broadcast %jit3A_83 : f32 to vector<256x2048xf32>
    %select_n3A_85 = arith.select %eq3A_82, %broadcast_in_dim3A_84, %select_n3A_78 : vector<256x2048xi1>, vector<256x2048xf32>
    %argmin3A_86 = tpu.reduce_index %select_n3A_85 {axis = 1 : i32, kind = #tpu.reduction_kind<arg_min>} : vector<256x2048xf32> -> vector<256xi32>
    %broadcast_in_dim3A_87 = vector.shape_cast %argmin3A_86 : vector<256xi32> to vector<256x1xi32>
    %eq3A_88 = vector.broadcast %broadcast_in_dim3A_87 : vector<256x1xi32> to vector<256x2048xi32>
    %eq3A_89 = arith.cmpi eq, %iota3A, %eq3A_88 : vector<256x2048xi32>
    %jit3A_90 = arith.constant 3.000000e+38 : f32
    %broadcast_in_dim3A_91 = vector.broadcast %jit3A_90 : f32 to vector<256x2048xf32>
    %select_n3A_92 = arith.select %eq3A_89, %broadcast_in_dim3A_91, %select_n3A_85 : vector<256x2048xi1>, vector<256x2048xf32>
    %argmin3A_93 = tpu.reduce_index %select_n3A_92 {axis = 1 : i32, kind = #tpu.reduction_kind<arg_min>} : vector<256x2048xf32> -> vector<256xi32>
    %broadcast_in_dim3A_94 = vector.shape_cast %argmin3A_93 : vector<256xi32> to vector<256x1xi32>
    %eq3A_95 = vector.broadcast %broadcast_in_dim3A_94 : vector<256x1xi32> to vector<256x2048xi32>
    %eq3A_96 = arith.cmpi eq, %iota3A, %eq3A_95 : vector<256x2048xi32>
    %jit3A_97 = arith.constant 3.000000e+38 : f32
    %broadcast_in_dim3A_98 = vector.broadcast %jit3A_97 : f32 to vector<256x2048xf32>
    %select_n3A_99 = arith.select %eq3A_96, %broadcast_in_dim3A_98, %select_n3A_92 : vector<256x2048xi1>, vector<256x2048xf32>
    %argmin3A_100 = tpu.reduce_index %select_n3A_99 {axis = 1 : i32, kind = #tpu.reduction_kind<arg_min>} : vector<256x2048xf32> -> vector<256xi32>
    %broadcast_in_dim3A_101 = vector.shape_cast %argmin3A_100 : vector<256xi32> to vector<256x1xi32>
    %eq3A_102 = vector.broadcast %broadcast_in_dim3A_101 : vector<256x1xi32> to vector<256x2048xi32>
    %eq3A_103 = arith.cmpi eq, %iota3A, %eq3A_102 : vector<256x2048xi32>
    %jit3A_104 = arith.constant 3.000000e+38 : f32
    %broadcast_in_dim3A_105 = vector.broadcast %jit3A_104 : f32 to vector<256x2048xf32>
    %select_n3A_106 = arith.select %eq3A_103, %broadcast_in_dim3A_105, %select_n3A_99 : vector<256x2048xi1>, vector<256x2048xf32>
    %argmin3A_107 = tpu.reduce_index %select_n3A_106 {axis = 1 : i32, kind = #tpu.reduction_kind<arg_min>} : vector<256x2048xf32> -> vector<256xi32>
    %broadcast_in_dim3A_108 = vector.shape_cast %argmin3A_107 : vector<256xi32> to vector<256x1xi32>
    %eq3A_109 = vector.broadcast %broadcast_in_dim3A_108 : vector<256x1xi32> to vector<256x2048xi32>
    %eq3A_110 = arith.cmpi eq, %iota3A, %eq3A_109 : vector<256x2048xi32>
    %jit3A_111 = arith.constant 3.000000e+38 : f32
    %broadcast_in_dim3A_112 = vector.broadcast %jit3A_111 : f32 to vector<256x2048xf32>
    %select_n3A_113 = arith.select %eq3A_110, %broadcast_in_dim3A_112, %select_n3A_106 : vector<256x2048xi1>, vector<256x2048xf32>
    %argmin3A_114 = tpu.reduce_index %select_n3A_113 {axis = 1 : i32, kind = #tpu.reduction_kind<arg_min>} : vector<256x2048xf32> -> vector<256xi32>
    %broadcast_in_dim3A_115 = vector.shape_cast %argmin3A_114 : vector<256xi32> to vector<256x1xi32>
    %eq3A_116 = vector.broadcast %broadcast_in_dim3A_115 : vector<256x1xi32> to vector<256x2048xi32>
    %eq3A_117 = arith.cmpi eq, %iota3A, %eq3A_116 : vector<256x2048xi32>
    %jit3A_118 = arith.constant 3.000000e+38 : f32
    %broadcast_in_dim3A_119 = vector.broadcast %jit3A_118 : f32 to vector<256x2048xf32>
    %select_n3A_120 = arith.select %eq3A_117, %broadcast_in_dim3A_119, %select_n3A_113 : vector<256x2048xi1>, vector<256x2048xf32>
    %concatenate3A = tpu.concatenate %broadcast_in_dim3A_13, %broadcast_in_dim3A_17, %broadcast_in_dim3A_24, %broadcast_in_dim3A_31, %broadcast_in_dim3A_38, %broadcast_in_dim3A_45, %broadcast_in_dim3A_52, %broadcast_in_dim3A_59, %broadcast_in_dim3A_66, %broadcast_in_dim3A_73, %broadcast_in_dim3A_80, %broadcast_in_dim3A_87, %broadcast_in_dim3A_94, %broadcast_in_dim3A_101, %broadcast_in_dim3A_108, %broadcast_in_dim3A_115 in 1 : vector<256x1xi32>, vector<256x1xi32>, vector<256x1xi32>, vector<256x1xi32>, vector<256x1xi32>, vector<256x1xi32>, vector<256x1xi32>, vector<256x1xi32>, vector<256x1xi32>, vector<256x1xi32>, vector<256x1xi32>, vector<256x1xi32>, vector<256x1xi32>, vector<256x1xi32>, vector<256x1xi32>, vector<256x1xi32> -> vector<256x16xi32>
    %mul3A_121 = arith.constant 2048 : i32
    %mul3A_122 = arith.muli %arg0, %mul3A_121 : i32
    %add3A = vector.broadcast %mul3A_122 : i32 to vector<256x16xi32>
    %add3A_123 = arith.addi %concatenate3A, %add3A : vector<256x16xi32>
    %swap3A = arith.constant 0 : index
    %swap3A_124 = arith.constant 0 : index
    %swap3A_125 = vector.load %arg4[%swap3A, %swap3A_124] : memref<256x16xi32, #tpu.memory_space<vmem>>, vector<256x16xi32>
    tpu.vector_store %arg4[%swap3A, %swap3A_124], %add3A_123 {strides = array<i32>} : memref<256x16xi32, #tpu.memory_space<vmem>>, vector<256x16xi32>,
    %eq3A_126 = arith.constant 3.000000e+38 : f32
    %eq3A_127 = vector.broadcast %eq3A_126 : f32 to vector<256x2048xf32>
    %eq3A_128 = arith.cmpf oeq, %select_n3A_120, %eq3A_127 : vector<256x2048xf32>
    %jit3A_129 = arith.constant 1.000000e+00 : f32
    %jit3A_130 = arith.constant 0.000000e+00 : f32
    %broadcast_in_dim3A_131 = vector.broadcast %jit3A_129 : f32 to vector<256x2048xf32>
    %broadcast_in_dim3A_132 = vector.broadcast %jit3A_130 : f32 to vector<256x2048xf32>
    %select_n3A_133 = arith.select %eq3A_128, %broadcast_in_dim3A_131, %broadcast_in_dim3A_132 : vector<256x2048xi1>, vector<256x2048xf32>
    %convert_element_type3A = arith.truncf %get3A_4 : vector<2048x16xf32> to vector<2048x16xbf16>
    %convert_element_type3A_134 = arith.extf %convert_element_type3A : vector<2048x16xbf16> to vector<2048x16xf32>
    %sub3A_135 = arith.subf %get3A_4, %convert_element_type3A_134 : vector<2048x16xf32>
    %dot_general3A_136 = arith.constant dense<0.000000e+00> : vector<256x16xf32>
    %dot_general3A_137 = tpu.matmul %select_n3A_133, %convert_element_type3A_134, %dot_general3A_136 {dimension_numbers = #tpu.dot_dimension_numbers<[1], [0], [0], [1], [0, 0, 1, 1], [], []>, transpose_lhs_hint = false} : vector<256x2048xf32>, vector<2048x16xf32>, vector<256x16xf32> -> vector<256x16xf32>
    %dot_general3A_138 = arith.constant dense<0.000000e+00> : vector<256x16xf32>
    %dot_general3A_139 = tpu.matmul %select_n3A_133, %sub3A_135, %dot_general3A_138 {dimension_numbers = #tpu.dot_dimension_numbers<[1], [0], [0], [1], [0, 0, 1, 1], [], []>, transpose_lhs_hint = false} : vector<256x2048xf32>, vector<2048x16xf32>, vector<256x16xf32> -> vector<256x16xf32>
    %add3A_140 = arith.addf %dot_general3A_137, %dot_general3A_139 : vector<256x16xf32>
    %broadcast_in_dim3A_141 = arith.constant 1.000000e+00 : f32
    %broadcast_in_dim3A_142 = vector.broadcast %broadcast_in_dim3A_141 : f32 to vector<256x1xf32>
    %dot_general3A_143 = arith.constant dense<0.000000e+00> : vector<2048x1xf32>
    %dot_general3A_144 = tpu.matmul %select_n3A_133, %broadcast_in_dim3A_142, %dot_general3A_143 {dimension_numbers = #tpu.dot_dimension_numbers<[0], [0], [1], [1], [0, 1, 1, 1], [], []>, transpose_lhs_hint = false} : vector<256x2048xf32>, vector<256x1xf32>, vector<2048x1xf32> -> vector<2048x1xf32>
    %mul3A_145 = vector.broadcast %dot_general3A_144 : vector<2048x1xf32> to vector<2048x16xf32>
    %mul3A_146 = arith.mulf %get3A_4, %mul3A_145 : vector<2048x16xf32>
    %convert_element_type3A_147 = arith.truncf %mul3A_146 : vector<2048x16xf32> to vector<2048x16xbf16>
    %convert_element_type3A_148 = arith.extf %convert_element_type3A_147 : vector<2048x16xbf16> to vector<2048x16xf32>
    %sub3A_149 = arith.subf %mul3A_146, %convert_element_type3A_148 : vector<2048x16xf32>
    %dot_general3A_150 = arith.constant dense<0.000000e+00> : vector<16x16xf32>
    %dot_general3A_151 = tpu.matmul %convert_element_type3A_148, %convert_element_type3A_134, %dot_general3A_150 {dimension_numbers = #tpu.dot_dimension_numbers<[0], [0], [1], [1], [0, 1, 1, 1], [], []>, transpose_lhs_hint = false} : vector<2048x16xf32>, vector<2048x16xf32>, vector<16x16xf32> -> vector<16x16xf32>
    %dot_general3A_152 = arith.constant dense<0.000000e+00> : vector<16x16xf32>
    %dot_general3A_153 = tpu.matmul %convert_element_type3A_148, %sub3A_135, %dot_general3A_152 {dimension_numbers = #tpu.dot_dimension_numbers<[0], [0], [1], [1], [0, 1, 1, 1], [], []>, transpose_lhs_hint = false} : vector<2048x16xf32>, vector<2048x16xf32>, vector<16x16xf32> -> vector<16x16xf32>
    %add3A_154 = arith.addf %dot_general3A_151, %dot_general3A_153 : vector<16x16xf32>
    %dot_general3A_155 = arith.constant dense<0.000000e+00> : vector<16x16xf32>
    %dot_general3A_156 = tpu.matmul %sub3A_149, %convert_element_type3A_134, %dot_general3A_155 {dimension_numbers = #tpu.dot_dimension_numbers<[0], [0], [1], [1], [0, 1, 1, 1], [], []>, transpose_lhs_hint = false} : vector<2048x16xf32>, vector<2048x16xf32>, vector<16x16xf32> -> vector<16x16xf32>
    %add3A_157 = arith.addf %add3A_154, %dot_general3A_156 : vector<16x16xf32>
    %dot_general3A_158 = arith.constant dense<0.000000e+00> : vector<16x16xf32>
    %dot_general3A_159 = tpu.matmul %add3A_140, %get3A_1, %dot_general3A_158 {dimension_numbers = #tpu.dot_dimension_numbers<[0], [0], [1], [1], [0, 1, 1, 1], [], []>, precision = #tpu.contract_precision<fp32>, transpose_lhs_hint = false} : vector<256x16xf32>, vector<256x16xf32>, vector<16x16xf32> -> vector<16x16xf32>
    %dot_general3A_160 = arith.constant dense<0.000000e+00> : vector<16x16xf32>
    %dot_general3A_161 = tpu.matmul %get3A_1, %add3A_140, %dot_general3A_160 {dimension_numbers = #tpu.dot_dimension_numbers<[0], [0], [1], [1], [0, 1, 1, 1], [], []>, precision = #tpu.contract_precision<fp32>, transpose_lhs_hint = false} : vector<256x16xf32>, vector<256x16xf32>, vector<16x16xf32> -> vector<16x16xf32>
    %dot_general3A_162 = arith.constant dense<0.000000e+00> : vector<16x16xf32>
    %dot_general3A_163 = tpu.matmul %get3A_1, %get3A_1, %dot_general3A_162 {dimension_numbers = #tpu.dot_dimension_numbers<[0], [0], [1], [1], [0, 1, 1, 1], [], []>, precision = #tpu.contract_precision<fp32>, transpose_lhs_hint = false} : vector<256x16xf32>, vector<256x16xf32>, vector<16x16xf32> -> vector<16x16xf32>
    %sub3A_164 = arith.subf %add3A_157, %dot_general3A_159 : vector<16x16xf32>
    %sub3A_165 = arith.subf %sub3A_164, %dot_general3A_161 : vector<16x16xf32>
    %mul3A_166 = arith.constant 1.600000e+01 : f32
    %mul3A_167 = vector.broadcast %mul3A_166 : f32 to vector<16x16xf32>
    %mul3A_168 = arith.mulf %mul3A_167, %dot_general3A_163 : vector<16x16xf32>
    %add3A_169 = arith.addf %sub3A_165, %mul3A_168 : vector<16x16xf32>
    %mul3A_170 = arith.constant 1.600000e+01 : f32
    %mul3A_171 = vector.broadcast %mul3A_170 : f32 to vector<256x16xf32>
    %mul3A_172 = arith.mulf %mul3A_171, %get3A_1 : vector<256x16xf32>
    %sub3A_173 = arith.subf %add3A_140, %mul3A_172 : vector<256x16xf32>
    %reduce_sum3A = arith.constant dense<0.000000e+00> : vector<16xf32>
    %reduce_sum3A_174 = vector.multi_reduction <add>, %sub3A_173, %reduce_sum3A [0] : vector<256x16xf32> to vector<16xf32>
    %broadcast_in_dim3A_175 = vector.shape_cast %reduce_sum3A_174 : vector<16xf32> to vector<1x16xf32>
    %eq3A_176 = arith.constant 0 : i32
    %eq3A_177 = arith.cmpi eq, %arg0, %eq3A_176 : i32
    %eq3A_178 = arith.constant 0 : i32
    %eq3A_179 = arith.cmpi eq, %arg1, %eq3A_178 : i32
    %and3A = arith.andi %eq3A_177, %eq3A_179 : i1
    %convert_element_type3A_180 = arith.extui %and3A : i1 to i32
    %cond3A = arith.constant 0 : i32
    %cond3A_181 = arith.cmpi ne, %convert_element_type3A_180, %cond3A : i32
    scf.if %cond3A_181 {
      %swap3A_186 = arith.constant 0 : index
      %swap3A_187 = arith.constant 0 : index
      %swap3A_188 = vector.load %arg5[%swap3A_186, %swap3A_187] : memref<1x16xf32, #tpu.memory_space<vmem>>, vector<1x16xf32>
      tpu.vector_store %arg5[%swap3A_186, %swap3A_187], %broadcast_in_dim3A_175 {strides = array<i32>} : memref<1x16xf32, #tpu.memory_space<vmem>>, vector<1x16xf32>,
      %swap3A_189 = arith.constant 0 : index
      %swap3A_190 = arith.constant 0 : index
      %swap3A_191 = vector.load %arg6[%swap3A_189, %swap3A_190] : memref<16x16xf32, #tpu.memory_space<vmem>>, vector<16x16xf32>
      tpu.vector_store %arg6[%swap3A_189, %swap3A_190], %add3A_169 {strides = array<i32>} : memref<16x16xf32, #tpu.memory_space<vmem>>, vector<16x16xf32>,
    } else {
    }
    %not3A = arith.constant true
    %not3A_182 = arith.xori %and3A, %not3A : i1
    %convert_element_type3A_183 = arith.extui %not3A_182 : i1 to i32
    %cond3A_184 = arith.constant 0 : i32
    %cond3A_185 = arith.cmpi ne, %convert_element_type3A_183, %cond3A_184 : i32
    scf.if %cond3A_185 {
      %get3A_186 = arith.constant 0 : index
      %get3A_187 = arith.constant 0 : index
      %get3A_188 = vector.load %arg5[%get3A_186, %get3A_187] : memref<1x16xf32, #tpu.memory_space<vmem>>, vector<1x16xf32>
      %add3A_189 = arith.addf %get3A_188, %broadcast_in_dim3A_175 : vector<1x16xf32>
      %swap3A_190 = arith.constant 0 : index
      %swap3A_191 = arith.constant 0 : index
      %swap3A_192 = vector.load %arg5[%swap3A_190, %swap3A_191] : memref<1x16xf32, #tpu.memory_space<vmem>>, vector<1x16xf32>
      tpu.vector_store %arg5[%swap3A_190, %swap3A_191], %add3A_189 {strides = array<i32>} : memref<1x16xf32, #tpu.memory_space<vmem>>, vector<1x16xf32>,
      %get3A_193 = arith.constant 0 : index
      %get3A_194 = arith.constant 0 : index
      %get3A_195 = vector.load %arg6[%get3A_193, %get3A_194] : memref<16x16xf32, #tpu.memory_space<vmem>>, vector<16x16xf32>
      %add3A_196 = arith.addf %get3A_195, %add3A_169 : vector<16x16xf32>
      %swap3A_197 = arith.constant 0 : index
      %swap3A_198 = arith.constant 0 : index
      %swap3A_199 = vector.load %arg6[%swap3A_197, %swap3A_198] : memref<16x16xf32, #tpu.memory_space<vmem>>, vector<16x16xf32>
      tpu.vector_store %arg6[%swap3A_197, %swap3A_198], %add3A_196 {strides = array<i32>} : memref<16x16xf32, #tpu.memory_space<vmem>>, vector<16x16xf32>,
    } else {
    }
    return
  }
  func.func @transform_0(%arg0: i32, %arg1: i32) -> (i32, i32) {
    %mul3A = arith.constant 8 : i32
    %mul3A_0 = arith.muli %arg0, %mul3A : i32
    %add3A = arith.addi %mul3A_0, %arg1 : i32
    %c0_i32 = arith.constant 0 : i32
    %c0_i32_1 = arith.constant 0 : i32
    return %add3A, %c0_i32 : i32, i32
  }
  func.func @transform_1(%arg0: i32, %arg1: i32) -> (i32, i32) {
    %c0_i32 = arith.constant 0 : i32
    %c0_i32_0 = arith.constant 0 : i32
    return %arg0, %c0_i32 : i32, i32
  }
  func.func @transform_2(%arg0: i32, %arg1: i32) -> (i32, i32) {
    %mul3A = arith.constant 8 : i32
    %mul3A_0 = arith.muli %arg0, %mul3A : i32
    %add3A = arith.addi %mul3A_0, %arg1 : i32
    %c0_i32 = arith.constant 0 : i32
    %c0_i32_1 = arith.constant 0 : i32
    return %add3A, %c0_i32 : i32, i32
  }
  func.func @transform_3(%arg0: i32, %arg1: i32) -> (i32, i32) {
    %c0_i32 = arith.constant 0 : i32
    %c0_i32_0 = arith.constant 0 : i32
    %c0_i32_1 = arith.constant 0 : i32
    return %c0_i32, %c0_i32_0 : i32, i32
  }
  func.func @transform_4(%arg0: i32, %arg1: i32) -> (i32, i32) {
    %c0_i32 = arith.constant 0 : i32
    %c0_i32_0 = arith.constant 0 : i32
    %c0_i32_1 = arith.constant 0 : i32
    return %c0_i32, %c0_i32_0 : i32, i32
  }
}

module attributes {stable_mosaic.version = 14 : i64} {
  func.func @_attn_body(%arg0: i32, %arg1: memref<128x256xf32, #tpu.memory_space<vmem>>, %arg2: memref<2048x128xi32, #tpu.memory_space<vmem>>, %arg3: memref<2048x128xi32, #tpu.memory_space<vmem>>, %arg4: memref<2048x128xf32, #tpu.memory_space<vmem>>, %arg5: memref<128x16xf32, #tpu.memory_space<vmem>>, %arg6: memref<128x256xf32, #tpu.memory_space<vmem>>, %arg7: memref<256x8xf32, #tpu.memory_space<vmem>>, %arg8: memref<1x16xf32, #tpu.memory_space<vmem>>, %arg9: memref<16x16xf32, #tpu.memory_space<vmem>>, %arg10: memref<256x3xf32, #tpu.memory_space<vmem>>, %arg11: memref<256x1xf32, #tpu.memory_space<vmem>>, %arg12: memref<256x1xf32, #tpu.memory_space<vmem>>, %arg13: memref<256x256xf32, #tpu.memory_space<vmem>>, %arg14: memref<256x256xf32, #tpu.memory_space<vmem>>, %arg15: memref<128x256xf32, #tpu.memory_space<vmem>>, %arg16: memref<1x256xf32, #tpu.memory_space<vmem>>, %arg17: memref<1x256xf32, #tpu.memory_space<vmem>>) attributes {dimension_semantics = [#tpu.dimension_semantics<arbitrary>], iteration_bounds = array<i64: 32>, scalar_prefetch = 0 : i64, scratch_operands = 0 : i64, tpu.core_type = #tpu.core_type<tc>, window_params = [{transform_indices = @transform_0, window_bounds = array<i64: 128, 256>}, {transform_indices = @transform_1, window_bounds = array<i64: 2048, 128>}, {transform_indices = @transform_2, window_bounds = array<i64: 2048, 128>}, {transform_indices = @transform_3, window_bounds = array<i64: 2048, 128>}, {transform_indices = @transform_4, window_bounds = array<i64: 128, 16>}, {transform_indices = @transform_5, window_bounds = array<i64: 128, 256>}, {pipeline_mode = #tpu.pipeline_mode<synchronous>, transform_indices = @transform_6, window_bounds = array<i64: 256, 8>}, {pipeline_mode = #tpu.pipeline_mode<synchronous>, transform_indices = @transform_7, window_bounds = array<i64: 1, 16>}, {pipeline_mode = #tpu.pipeline_mode<synchronous>, transform_indices = @transform_8, window_bounds = array<i64: 16, 16>}, {pipeline_mode = #tpu.pipeline_mode<synchronous>, transform_indices = @transform_9, window_bounds = array<i64: 256, 3>}, {pipeline_mode = #tpu.pipeline_mode<synchronous>, transform_indices = @transform_10, window_bounds = array<i64: 256, 1>}, {pipeline_mode = #tpu.pipeline_mode<synchronous>, transform_indices = @transform_11, window_bounds = array<i64: 256, 1>}, {pipeline_mode = #tpu.pipeline_mode<synchronous>, transform_indices = @transform_12, window_bounds = array<i64: 256, 256>}, {pipeline_mode = #tpu.pipeline_mode<synchronous>, transform_indices = @transform_13, window_bounds = array<i64: 256, 256>}, {transform_indices = @transform_14, window_bounds = array<i64: 128, 256>}, {pipeline_mode = #tpu.pipeline_mode<synchronous>, transform_indices = @transform_15, window_bounds = array<i64: 1, 256>}, {pipeline_mode = #tpu.pipeline_mode<synchronous>, transform_indices = @transform_16, window_bounds = array<i64: 1, 256>}]} {
    %get3A = arith.constant 0 : index
    %get3A_0 = arith.constant 0 : index
    %get3A_1 = vector.load %arg8[%get3A, %get3A_0] : memref<1x16xf32, #tpu.memory_space<vmem>>, vector<1x16xf32>
    %div3A = arith.constant 6.553600e+04 : f32
    %div3A_2 = vector.broadcast %div3A : f32 to vector<1x16xf32>
    %div3A_3 = arith.divf %get3A_1, %div3A_2 : vector<1x16xf32>
    %get3A_4 = arith.constant 0 : index
    %get3A_5 = arith.constant 0 : index
    %get3A_6 = vector.load %arg9[%get3A_4, %get3A_5] : memref<16x16xf32, #tpu.memory_space<vmem>>, vector<16x16xf32>
    %div3A_7 = arith.constant 6.553600e+04 : f32
    %div3A_8 = vector.broadcast %div3A_7 : f32 to vector<16x16xf32>
    %div3A_9 = arith.divf %get3A_6, %div3A_8 : vector<16x16xf32>
    %dot_general3A = arith.constant dense<0.000000e+00> : vector<16x16xf32>
    %dot_general3A_10 = tpu.matmul %div3A_3, %div3A_3, %dot_general3A {dimension_numbers = #tpu.dot_dimension_numbers<[0], [0], [1], [1], [0, 1, 1, 1], [], []>, transpose_lhs_hint = false} : vector<1x16xf32>, vector<1x16xf32>, vector<16x16xf32> -> vector<16x16xf32>
    %sub3A = arith.subf %div3A_9, %dot_general3A_10 : vector<16x16xf32>
    %get3A_11 = arith.constant 0 : index
    %get3A_12 = arith.constant 0 : index
    %get3A_13 = vector.load %arg10[%get3A_11, %get3A_12] : memref<256x3xf32, #tpu.memory_space<vmem>>, vector<256x3xf32>
    %broadcast_in_dim3A = arith.constant 0.000000e+00 : f32
    %broadcast_in_dim3A_14 = vector.broadcast %broadcast_in_dim3A : f32 to vector<256x13xf32>
    %concatenate3A = tpu.concatenate %get3A_13, %broadcast_in_dim3A_14 in 1 : vector<256x3xf32>, vector<256x13xf32> -> vector<256x16xf32>
    %dot_general3A_15 = arith.constant dense<0.000000e+00> : vector<256x1xf32>
    %dot_general3A_16 = tpu.matmul %concatenate3A, %div3A_3, %dot_general3A_15 {dimension_numbers = #tpu.dot_dimension_numbers<[1], [1], [0], [0], [0, 0, 1, 0], [], []>, transpose_lhs_hint = false} : vector<256x16xf32>, vector<1x16xf32>, vector<256x1xf32> -> vector<256x1xf32>
    %dot_general3A_17 = arith.constant dense<0.000000e+00> : vector<256x16xf32>
    %dot_general3A_18 = tpu.matmul %concatenate3A, %sub3A, %dot_general3A_17 {dimension_numbers = #tpu.dot_dimension_numbers<[1], [1], [0], [0], [0, 0, 1, 0], [], []>, transpose_lhs_hint = false} : vector<256x16xf32>, vector<16x16xf32>, vector<256x16xf32> -> vector<256x16xf32>
    %mul3A = arith.mulf %dot_general3A_18, %concatenate3A : vector<256x16xf32>
    %reduce_sum3A = arith.constant dense<0.000000e+00> : vector<256xf32>
    %reduce_sum3A_19 = vector.multi_reduction <add>, %mul3A, %reduce_sum3A [1] : vector<256x16xf32> to vector<256xf32>
    %broadcast_in_dim3A_20 = vector.shape_cast %reduce_sum3A_19 : vector<256xf32> to vector<256x1xf32>
    %get3A_21 = arith.constant 0 : index
    %get3A_22 = arith.constant 0 : index
    %get3A_23 = vector.load %arg11[%get3A_21, %get3A_22] : memref<256x1xf32, #tpu.memory_space<vmem>>, vector<256x1xf32>
    %add3A = arith.constant 9.99999974E-6 : f32
    %add3A_24 = vector.broadcast %add3A : f32 to vector<256x1xf32>
    %add3A_25 = arith.addf %broadcast_in_dim3A_20, %add3A_24 : vector<256x1xf32>
    %rsqrt3A = math.rsqrt %add3A_25 : vector<256x1xf32>
    %mul3A_26 = arith.mulf %get3A_23, %rsqrt3A : vector<256x1xf32>
    %get3A_27 = arith.constant 0 : index
    %get3A_28 = arith.constant 0 : index
    %get3A_29 = vector.load %arg12[%get3A_27, %get3A_28] : memref<256x1xf32, #tpu.memory_space<vmem>>, vector<256x1xf32>
    %mul3A_30 = arith.mulf %dot_general3A_16, %mul3A_26 : vector<256x1xf32>
    %sub3A_31 = arith.subf %get3A_29, %mul3A_30 : vector<256x1xf32>
    %mul3A_32 = vector.broadcast %mul3A_26 : vector<256x1xf32> to vector<256x3xf32>
    %mul3A_33 = arith.mulf %get3A_13, %mul3A_32 : vector<256x3xf32>
    %broadcast_in_dim3A_34 = arith.constant 0.000000e+00 : f32
    %broadcast_in_dim3A_35 = vector.broadcast %broadcast_in_dim3A_34 : f32 to vector<256x12xf32>
    %concatenate3A_36 = tpu.concatenate %mul3A_33, %sub3A_31, %broadcast_in_dim3A_35 in 1 : vector<256x3xf32>, vector<256x1xf32>, vector<256x12xf32> -> vector<256x16xf32>
    %get3A_37 = arith.constant 0 : index
    %get3A_38 = arith.constant 0 : index
    %get3A_39 = vector.load %arg4[%get3A_37, %get3A_38] : memref<2048x128xf32, #tpu.memory_space<vmem>>, vector<2048x128xf32>
    %slice3A = vector.extract_strided_slice %get3A_39 {offsets = [0, 0], sizes = [2048, 16], strides = [1, 1]} : vector<2048x128xf32> to vector<2048x16xf32>
    %get3A_40 = arith.constant 0 : index
    %get3A_41 = arith.constant 0 : index
    %get3A_42 = vector.load %arg5[%get3A_40, %get3A_41] : memref<128x16xf32, #tpu.memory_space<vmem>>, vector<128x16xf32>
    %broadcast_in_dim3A_43 = vector.shape_cast %get3A_42 : vector<128x16xf32> to vector<128x1x16xf32>
    %broadcast_in_dim3A_44 = vector.shape_cast %broadcast_in_dim3A_43 : vector<128x1x16xf32> to vector<128x1x16xf32>
    %broadcast_in_dim3A_45 = vector.broadcast %broadcast_in_dim3A_44 : vector<128x1x16xf32> to vector<128x16x16xf32>
    %reshape3A = vector.shape_cast %broadcast_in_dim3A_45 : vector<128x16x16xf32> to vector<2048x16xf32>
    %sub3A_46 = arith.subf %slice3A, %reshape3A : vector<2048x16xf32>
    %iota3A = tpu.iota {dimensions = array<i32: 1>} : vector<1x16xi32>
    %eq3A = arith.constant 3 : i32
    %eq3A_47 = vector.broadcast %eq3A : i32 to vector<1x16xi32>
    %eq3A_48 = arith.cmpi eq, %iota3A, %eq3A_47 : vector<1x16xi32>
    %jit3A = arith.constant 1.000000e+00 : f32
    %jit3A_49 = arith.constant 0.000000e+00 : f32
    %broadcast_in_dim3A_50 = vector.broadcast %jit3A : f32 to vector<1x16xf32>
    %broadcast_in_dim3A_51 = vector.broadcast %jit3A_49 : f32 to vector<1x16xf32>
    %select_n3A = arith.select %eq3A_48, %broadcast_in_dim3A_50, %broadcast_in_dim3A_51 : vector<1x16xi1>, vector<1x16xf32>
    %add3A_52 = vector.broadcast %select_n3A : vector<1x16xf32> to vector<2048x16xf32>
    %add3A_53 = arith.addf %sub3A_46, %add3A_52 : vector<2048x16xf32>
    %dot_general3A_54 = arith.constant dense<0.000000e+00> : vector<2048x256xf32>
    %dot_general3A_55 = tpu.matmul %add3A_53, %concatenate3A_36, %dot_general3A_54 {dimension_numbers = #tpu.dot_dimension_numbers<[1], [1], [0], [0], [0, 0, 1, 0], [], []>, transpose_lhs_hint = false} : vector<2048x16xf32>, vector<256x16xf32>, vector<2048x256xf32> -> vector<2048x256xf32>
    %max3A = arith.constant 0.000000e+00 : f32
    %max3A_56 = vector.broadcast %max3A : f32 to vector<2048x256xf32>
    %max3A_57 = arith.maximumf %dot_general3A_55, %max3A_56 : vector<2048x256xf32>
    %get3A_58 = arith.constant 0 : index
    %get3A_59 = arith.constant 0 : index
    %get3A_60 = vector.load %arg13[%get3A_58, %get3A_59] : memref<256x256xf32, #tpu.memory_space<vmem>>, vector<256x256xf32>
    %dot_general3A_61 = arith.constant dense<0.000000e+00> : vector<2048x256xf32>
    %dot_general3A_62 = tpu.matmul %max3A_57, %get3A_60, %dot_general3A_61 {dimension_numbers = #tpu.dot_dimension_numbers<[1], [1], [0], [0], [0, 0, 1, 0], [], []>, transpose_lhs_hint = false} : vector<2048x256xf32>, vector<256x256xf32>, vector<2048x256xf32> -> vector<2048x256xf32>
    %get3A_63 = arith.constant 0 : index
    %get3A_64 = arith.constant 0 : index
    %get3A_65 = vector.load %arg7[%get3A_63, %get3A_64] : memref<256x8xf32, #tpu.memory_space<vmem>>, vector<256x8xf32>
    %dot_general3A_66 = arith.constant dense<0.000000e+00> : vector<2048x8xf32>
    %dot_general3A_67 = tpu.matmul %dot_general3A_62, %get3A_65, %dot_general3A_66 {dimension_numbers = #tpu.dot_dimension_numbers<[1], [0], [0], [1], [0, 0, 1, 1], [], []>, transpose_lhs_hint = false} : vector<2048x256xf32>, vector<256x8xf32>, vector<2048x8xf32> -> vector<2048x8xf32>
    %reshape3A_68 = vector.shape_cast %dot_general3A_67 : vector<2048x8xf32> to vector<128x16x8xf32>
    %get3A_69 = arith.constant 0 : index
    %get3A_70 = arith.constant 0 : index
    %get3A_71 = vector.load %arg1[%get3A_69, %get3A_70] : memref<128x256xf32, #tpu.memory_space<vmem>>, vector<128x256xf32>
    %get3A_72 = arith.constant 0 : index
    %get3A_73 = arith.constant 0 : index
    %get3A_74 = vector.load %arg2[%get3A_72, %get3A_73] : memref<2048x128xi32, #tpu.memory_space<vmem>>, vector<2048x128xi32>
    %shift_left3A = arith.constant 16 : i32
    %shift_left3A_75 = vector.broadcast %shift_left3A : i32 to vector<2048x128xi32>
    %shift_left3A_76 = arith.shli %get3A_74, %shift_left3A_75 : vector<2048x128xi32>
    %bitcast_convert_type3A = tpu.bitcast %shift_left3A_76 : vector<2048x128xi32> -> vector<2048x128xf32>
    %and3A = arith.constant -65536 : i32
    %and3A_77 = vector.broadcast %and3A : i32 to vector<2048x128xi32>
    %and3A_78 = arith.andi %get3A_74, %and3A_77 : vector<2048x128xi32>
    %bitcast_convert_type3A_79 = tpu.bitcast %and3A_78 : vector<2048x128xi32> -> vector<2048x128xf32>
    %concatenate3A_80 = tpu.concatenate %bitcast_convert_type3A, %bitcast_convert_type3A_79 in 1 : vector<2048x128xf32>, vector<2048x128xf32> -> vector<2048x256xf32>
    %reshape3A_81 = vector.shape_cast %concatenate3A_80 : vector<2048x256xf32> to vector<128x16x256xf32>
    %broadcast_in_dim3A_82 = vector.shape_cast %get3A_71 : vector<128x256xf32> to vector<128x1x256xf32>
    %mul3A_83 = vector.broadcast %broadcast_in_dim3A_82 : vector<128x1x256xf32> to vector<128x16x256xf32>
    %mul3A_84 = arith.mulf %reshape3A_81, %mul3A_83 : vector<128x16x256xf32>
    %reshape3A_85 = vector.shape_cast %mul3A_84 : vector<128x16x256xf32> to vector<2048x256xf32>
    %get3A_86 = arith.constant 0 : index
    %get3A_87 = arith.constant 0 : index
    %get3A_88 = vector.load %arg7[%get3A_86, %get3A_87] : memref<256x8xf32, #tpu.memory_space<vmem>>, vector<256x8xf32>
    %dot_general3A_89 = arith.constant dense<0.000000e+00> : vector<2048x8xf32>
    %dot_general3A_90 = tpu.matmul %reshape3A_85, %get3A_88, %dot_general3A_89 {dimension_numbers = #tpu.dot_dimension_numbers<[1], [0], [0], [1], [0, 0, 1, 1], [], []>, transpose_lhs_hint = false} : vector<2048x256xf32>, vector<256x8xf32>, vector<2048x8xf32> -> vector<2048x8xf32>
    %mul3A_91 = arith.constant 0.176776692 : f32
    %mul3A_92 = vector.broadcast %mul3A_91 : f32 to vector<2048x8xf32>
    %mul3A_93 = arith.mulf %dot_general3A_90, %mul3A_92 : vector<2048x8xf32>
    %reshape3A_94 = vector.shape_cast %mul3A_93 : vector<2048x8xf32> to vector<128x16x8xf32>
    %add3A_95 = arith.addf %reshape3A_94, %reshape3A_68 : vector<128x16x8xf32>
    %reduce_max3A = arith.constant dense<0xFF800000> : vector<128x8xf32>
    %reduce_max3A_96 = vector.multi_reduction <maximumf>, %add3A_95, %reduce_max3A [1] : vector<128x16x8xf32> to vector<128x8xf32>
    %broadcast_in_dim3A_97 = vector.shape_cast %reduce_max3A_96 : vector<128x8xf32> to vector<128x1x8xf32>
    %sub3A_98 = vector.broadcast %broadcast_in_dim3A_97 : vector<128x1x8xf32> to vector<128x16x8xf32>
    %sub3A_99 = arith.subf %add3A_95, %sub3A_98 : vector<128x16x8xf32>
    %exp3A = math.exp %sub3A_99 : vector<128x16x8xf32>
    %reduce_sum3A_100 = arith.constant dense<0.000000e+00> : vector<128x8xf32>
    %reduce_sum3A_101 = vector.multi_reduction <add>, %exp3A, %reduce_sum3A_100 [1] : vector<128x16x8xf32> to vector<128x8xf32>
    %broadcast_in_dim3A_102 = vector.shape_cast %reduce_sum3A_101 : vector<128x8xf32> to vector<128x1x8xf32>
    %div3A_103 = vector.broadcast %broadcast_in_dim3A_102 : vector<128x1x8xf32> to vector<128x16x8xf32>
    %div3A_104 = arith.divf %exp3A, %div3A_103 : vector<128x16x8xf32>
    %reshape3A_105 = vector.shape_cast %div3A_104 : vector<128x16x8xf32> to vector<2048x8xf32>
    %get3A_106 = arith.constant 0 : index
    %get3A_107 = arith.constant 0 : index
    %get3A_108 = vector.load %arg7[%get3A_106, %get3A_107] : memref<256x8xf32, #tpu.memory_space<vmem>>, vector<256x8xf32>
    %dot_general3A_109 = arith.constant dense<0.000000e+00> : vector<2048x256xf32>
    %dot_general3A_110 = tpu.matmul %reshape3A_105, %get3A_108, %dot_general3A_109 {dimension_numbers = #tpu.dot_dimension_numbers<[1], [1], [0], [0], [0, 0, 1, 0], [], []>, transpose_lhs_hint = false} : vector<2048x8xf32>, vector<256x8xf32>, vector<2048x256xf32> -> vector<2048x256xf32>
    %get3A_111 = arith.constant 0 : index
    %get3A_112 = arith.constant 0 : index
    %get3A_113 = vector.load %arg3[%get3A_111, %get3A_112] : memref<2048x128xi32, #tpu.memory_space<vmem>>, vector<2048x128xi32>
    %shift_left3A_114 = arith.constant 16 : i32
    %shift_left3A_115 = vector.broadcast %shift_left3A_114 : i32 to vector<2048x128xi32>
    %shift_left3A_116 = arith.shli %get3A_113, %shift_left3A_115 : vector<2048x128xi32>
    %bitcast_convert_type3A_117 = tpu.bitcast %shift_left3A_116 : vector<2048x128xi32> -> vector<2048x128xf32>
    %and3A_118 = arith.constant -65536 : i32
    %and3A_119 = vector.broadcast %and3A_118 : i32 to vector<2048x128xi32>
    %and3A_120 = arith.andi %get3A_113, %and3A_119 : vector<2048x128xi32>
    %bitcast_convert_type3A_121 = tpu.bitcast %and3A_120 : vector<2048x128xi32> -> vector<2048x128xf32>
    %concatenate3A_122 = tpu.concatenate %bitcast_convert_type3A_117, %bitcast_convert_type3A_121 in 1 : vector<2048x128xf32>, vector<2048x128xf32> -> vector<2048x256xf32>
    %mul3A_123 = arith.mulf %dot_general3A_110, %concatenate3A_122 : vector<2048x256xf32>
    %reshape3A_124 = vector.shape_cast %mul3A_123 : vector<2048x256xf32> to vector<128x16x256xf32>
    %reduce_sum3A_125 = arith.constant dense<0.000000e+00> : vector<128x256xf32>
    %reduce_sum3A_126 = vector.multi_reduction <add>, %reshape3A_124, %reduce_sum3A_125 [1] : vector<128x16x256xf32> to vector<128x256xf32>
    %get3A_127 = arith.constant 0 : index
    %get3A_128 = arith.constant 0 : index
    %get3A_129 = vector.load %arg14[%get3A_127, %get3A_128] : memref<256x256xf32, #tpu.memory_space<vmem>>, vector<256x256xf32>
    %dot_general3A_130 = arith.constant dense<0.000000e+00> : vector<128x256xf32>
    %dot_general3A_131 = tpu.matmul %reduce_sum3A_126, %get3A_129, %dot_general3A_130 {dimension_numbers = #tpu.dot_dimension_numbers<[1], [1], [0], [0], [0, 0, 1, 0], [], []>, transpose_lhs_hint = false} : vector<128x256xf32>, vector<256x256xf32>, vector<128x256xf32> -> vector<128x256xf32>
    %get3A_132 = arith.constant 0 : index
    %get3A_133 = arith.constant 0 : index
    %get3A_134 = vector.load %arg6[%get3A_132, %get3A_133] : memref<128x256xf32, #tpu.memory_space<vmem>>, vector<128x256xf32>
    %add3A_135 = arith.addf %get3A_134, %dot_general3A_131 : vector<128x256xf32>
    %swap3A = arith.constant 0 : index
    %swap3A_136 = arith.constant 0 : index
    %swap3A_137 = vector.load %arg15[%swap3A, %swap3A_136] : memref<128x256xf32, #tpu.memory_space<vmem>>, vector<128x256xf32>
    tpu.vector_store %arg15[%swap3A, %swap3A_136], %add3A_135 {strides = array<i32>} : memref<128x256xf32, #tpu.memory_space<vmem>>, vector<128x256xf32>,
    %reduce_sum3A_138 = arith.constant dense<0.000000e+00> : vector<256xf32>
    %reduce_sum3A_139 = vector.multi_reduction <add>, %add3A_135, %reduce_sum3A_138 [0] : vector<128x256xf32> to vector<256xf32>
    %broadcast_in_dim3A_140 = vector.shape_cast %reduce_sum3A_139 : vector<256xf32> to vector<1x256xf32>
    %mul3A_141 = arith.mulf %add3A_135, %add3A_135 : vector<128x256xf32>
    %reduce_sum3A_142 = arith.constant dense<0.000000e+00> : vector<256xf32>
    %reduce_sum3A_143 = vector.multi_reduction <add>, %mul3A_141, %reduce_sum3A_142 [0] : vector<128x256xf32> to vector<256xf32>
    %broadcast_in_dim3A_144 = vector.shape_cast %reduce_sum3A_143 : vector<256xf32> to vector<1x256xf32>
    %eq3A_145 = arith.constant 0 : i32
    %eq3A_146 = arith.cmpi eq, %arg0, %eq3A_145 : i32
    %convert_element_type3A = arith.extui %eq3A_146 : i1 to i32
    %cond3A = arith.constant 0 : i32
    %cond3A_147 = arith.cmpi ne, %convert_element_type3A, %cond3A : i32
    scf.if %cond3A_147 {
      %swap3A_152 = arith.constant 0 : index
      %swap3A_153 = arith.constant 0 : index
      %swap3A_154 = vector.load %arg16[%swap3A_152, %swap3A_153] : memref<1x256xf32, #tpu.memory_space<vmem>>, vector<1x256xf32>
      tpu.vector_store %arg16[%swap3A_152, %swap3A_153], %broadcast_in_dim3A_140 {strides = array<i32>} : memref<1x256xf32, #tpu.memory_space<vmem>>, vector<1x256xf32>,
      %swap3A_155 = arith.constant 0 : index
      %swap3A_156 = arith.constant 0 : index
      %swap3A_157 = vector.load %arg17[%swap3A_155, %swap3A_156] : memref<1x256xf32, #tpu.memory_space<vmem>>, vector<1x256xf32>
      tpu.vector_store %arg17[%swap3A_155, %swap3A_156], %broadcast_in_dim3A_144 {strides = array<i32>} : memref<1x256xf32, #tpu.memory_space<vmem>>, vector<1x256xf32>,
    } else {
    }
    %gt3A = arith.constant 0 : i32
    %gt3A_148 = arith.cmpi sgt, %arg0, %gt3A : i32
    %convert_element_type3A_149 = arith.extui %gt3A_148 : i1 to i32
    %cond3A_150 = arith.constant 0 : i32
    %cond3A_151 = arith.cmpi ne, %convert_element_type3A_149, %cond3A_150 : i32
    scf.if %cond3A_151 {
      %get3A_152 = arith.constant 0 : index
      %get3A_153 = arith.constant 0 : index
      %get3A_154 = vector.load %arg16[%get3A_152, %get3A_153] : memref<1x256xf32, #tpu.memory_space<vmem>>, vector<1x256xf32>
      %add3A_155 = arith.addf %get3A_154, %broadcast_in_dim3A_140 : vector<1x256xf32>
      %swap3A_156 = arith.constant 0 : index
      %swap3A_157 = arith.constant 0 : index
      %swap3A_158 = vector.load %arg16[%swap3A_156, %swap3A_157] : memref<1x256xf32, #tpu.memory_space<vmem>>, vector<1x256xf32>
      tpu.vector_store %arg16[%swap3A_156, %swap3A_157], %add3A_155 {strides = array<i32>} : memref<1x256xf32, #tpu.memory_space<vmem>>, vector<1x256xf32>,
      %get3A_159 = arith.constant 0 : index
      %get3A_160 = arith.constant 0 : index
      %get3A_161 = vector.load %arg17[%get3A_159, %get3A_160] : memref<1x256xf32, #tpu.memory_space<vmem>>, vector<1x256xf32>
      %add3A_162 = arith.addf %get3A_161, %broadcast_in_dim3A_144 : vector<1x256xf32>
      %swap3A_163 = arith.constant 0 : index
      %swap3A_164 = arith.constant 0 : index
      %swap3A_165 = vector.load %arg17[%swap3A_163, %swap3A_164] : memref<1x256xf32, #tpu.memory_space<vmem>>, vector<1x256xf32>
      tpu.vector_store %arg17[%swap3A_163, %swap3A_164], %add3A_162 {strides = array<i32>} : memref<1x256xf32, #tpu.memory_space<vmem>>, vector<1x256xf32>,
    } else {
    }
    return
  }
  func.func @transform_0(%arg0: i32) -> (i32, i32) {
    %c0_i32 = arith.constant 0 : i32
    %c0_i32_0 = arith.constant 0 : i32
    return %arg0, %c0_i32 : i32, i32
  }
  func.func @transform_1(%arg0: i32) -> (i32, i32) {
    %c0_i32 = arith.constant 0 : i32
    %c0_i32_0 = arith.constant 0 : i32
    return %arg0, %c0_i32 : i32, i32
  }
  func.func @transform_2(%arg0: i32) -> (i32, i32) {
    %c0_i32 = arith.constant 0 : i32
    %c0_i32_0 = arith.constant 0 : i32
    return %arg0, %c0_i32 : i32, i32
  }
  func.func @transform_3(%arg0: i32) -> (i32, i32) {
    %c0_i32 = arith.constant 0 : i32
    %c0_i32_0 = arith.constant 0 : i32
    return %arg0, %c0_i32 : i32, i32
  }
  func.func @transform_4(%arg0: i32) -> (i32, i32) {
    %c0_i32 = arith.constant 0 : i32
    %c0_i32_0 = arith.constant 0 : i32
    return %arg0, %c0_i32 : i32, i32
  }
  func.func @transform_5(%arg0: i32) -> (i32, i32) {
    %c0_i32 = arith.constant 0 : i32
    %c0_i32_0 = arith.constant 0 : i32
    return %arg0, %c0_i32 : i32, i32
  }
  func.func @transform_6(%arg0: i32) -> (i32, i32) {
    %c0_i32 = arith.constant 0 : i32
    %c0_i32_0 = arith.constant 0 : i32
    %c0_i32_1 = arith.constant 0 : i32
    return %c0_i32, %c0_i32_0 : i32, i32
  }
  func.func @transform_7(%arg0: i32) -> (i32, i32) {
    %c0_i32 = arith.constant 0 : i32
    %c0_i32_0 = arith.constant 0 : i32
    %c0_i32_1 = arith.constant 0 : i32
    return %c0_i32, %c0_i32_0 : i32, i32
  }
  func.func @transform_8(%arg0: i32) -> (i32, i32) {
    %c0_i32 = arith.constant 0 : i32
    %c0_i32_0 = arith.constant 0 : i32
    %c0_i32_1 = arith.constant 0 : i32
    return %c0_i32, %c0_i32_0 : i32, i32
  }
  func.func @transform_9(%arg0: i32) -> (i32, i32) {
    %c0_i32 = arith.constant 0 : i32
    %c0_i32_0 = arith.constant 0 : i32
    %c0_i32_1 = arith.constant 0 : i32
    return %c0_i32, %c0_i32_0 : i32, i32
  }
  func.func @transform_10(%arg0: i32) -> (i32, i32) {
    %c0_i32 = arith.constant 0 : i32
    %c0_i32_0 = arith.constant 0 : i32
    %c0_i32_1 = arith.constant 0 : i32
    return %c0_i32, %c0_i32_0 : i32, i32
  }
  func.func @transform_11(%arg0: i32) -> (i32, i32) {
    %c0_i32 = arith.constant 0 : i32
    %c0_i32_0 = arith.constant 0 : i32
    %c0_i32_1 = arith.constant 0 : i32
    return %c0_i32, %c0_i32_0 : i32, i32
  }
  func.func @transform_12(%arg0: i32) -> (i32, i32) {
    %c0_i32 = arith.constant 0 : i32
    %c0_i32_0 = arith.constant 0 : i32
    %c0_i32_1 = arith.constant 0 : i32
    return %c0_i32, %c0_i32_0 : i32, i32
  }
  func.func @transform_13(%arg0: i32) -> (i32, i32) {
    %c0_i32 = arith.constant 0 : i32
    %c0_i32_0 = arith.constant 0 : i32
    %c0_i32_1 = arith.constant 0 : i32
    return %c0_i32, %c0_i32_0 : i32, i32
  }
  func.func @transform_14(%arg0: i32) -> (i32, i32) {
    %c0_i32 = arith.constant 0 : i32
    %c0_i32_0 = arith.constant 0 : i32
    return %arg0, %c0_i32 : i32, i32
  }
  func.func @transform_15(%arg0: i32) -> (i32, i32) {
    %c0_i32 = arith.constant 0 : i32
    %c0_i32_0 = arith.constant 0 : i32
    %c0_i32_1 = arith.constant 0 : i32
    return %c0_i32, %c0_i32_0 : i32, i32
  }
  func.func @transform_16(%arg0: i32) -> (i32, i32) {
    %c0_i32 = arith.constant 0 : i32
    %c0_i32_0 = arith.constant 0 : i32
    %c0_i32_1 = arith.constant 0 : i32
    return %c0_i32, %c0_i32_0 : i32, i32
  }
}

module attributes {stable_mosaic.version = 14 : i64} {
  func.func @_ffn_body(%arg0: i32, %arg1: memref<512x256xf32, #tpu.memory_space<vmem>>, %arg2: memref<1x256xf32, #tpu.memory_space<vmem>>, %arg3: memref<1x256xf32, #tpu.memory_space<vmem>>, %arg4: memref<1024x256xf32, #tpu.memory_space<vmem>>, %arg5: memref<1x1024xf32, #tpu.memory_space<vmem>>, %arg6: memref<256x1024xf32, #tpu.memory_space<vmem>>, %arg7: memref<1x256xf32, #tpu.memory_space<vmem>>, %arg8: memref<1x256xf32, #tpu.memory_space<vmem>>, %arg9: memref<1x256xf32, #tpu.memory_space<vmem>>, %arg10: memref<512x256xf32, #tpu.memory_space<vmem>>, %arg11: memref<1x256xf32, #tpu.memory_space<vmem>>, %arg12: memref<1x256xf32, #tpu.memory_space<vmem>>) attributes {dimension_semantics = [#tpu.dimension_semantics<arbitrary>], iteration_bounds = array<i64: 8>, scalar_prefetch = 0 : i64, scratch_operands = 0 : i64, tpu.core_type = #tpu.core_type<tc>, window_params = [{transform_indices = @transform_0, window_bounds = array<i64: 512, 256>}, {pipeline_mode = #tpu.pipeline_mode<synchronous>, transform_indices = @transform_1, window_bounds = array<i64: 1, 256>}, {pipeline_mode = #tpu.pipeline_mode<synchronous>, transform_indices = @transform_2, window_bounds = array<i64: 1, 256>}, {pipeline_mode = #tpu.pipeline_mode<synchronous>, transform_indices = @transform_3, window_bounds = array<i64: 1024, 256>}, {pipeline_mode = #tpu.pipeline_mode<synchronous>, transform_indices = @transform_4, window_bounds = array<i64: 1, 1024>}, {pipeline_mode = #tpu.pipeline_mode<synchronous>, transform_indices = @transform_5, window_bounds = array<i64: 256, 1024>}, {pipeline_mode = #tpu.pipeline_mode<synchronous>, transform_indices = @transform_6, window_bounds = array<i64: 1, 256>}, {pipeline_mode = #tpu.pipeline_mode<synchronous>, transform_indices = @transform_7, window_bounds = array<i64: 1, 256>}, {pipeline_mode = #tpu.pipeline_mode<synchronous>, transform_indices = @transform_8, window_bounds = array<i64: 1, 256>}, {transform_indices = @transform_9, window_bounds = array<i64: 512, 256>}, {pipeline_mode = #tpu.pipeline_mode<synchronous>, transform_indices = @transform_10, window_bounds = array<i64: 1, 256>}, {pipeline_mode = #tpu.pipeline_mode<synchronous>, transform_indices = @transform_11, window_bounds = array<i64: 1, 256>}]} {
    %get3A = arith.constant 0 : index
    %get3A_0 = arith.constant 0 : index
    %get3A_1 = vector.load %arg2[%get3A, %get3A_0] : memref<1x256xf32, #tpu.memory_space<vmem>>, vector<1x256xf32>
    %div3A = arith.constant 4.096000e+03 : f32
    %div3A_2 = vector.broadcast %div3A : f32 to vector<1x256xf32>
    %div3A_3 = arith.divf %get3A_1, %div3A_2 : vector<1x256xf32>
    %get3A_4 = arith.constant 0 : index
    %get3A_5 = arith.constant 0 : index
    %get3A_6 = vector.load %arg3[%get3A_4, %get3A_5] : memref<1x256xf32, #tpu.memory_space<vmem>>, vector<1x256xf32>
    %div3A_7 = arith.constant 4.096000e+03 : f32
    %div3A_8 = vector.broadcast %div3A_7 : f32 to vector<1x256xf32>
    %div3A_9 = arith.divf %get3A_6, %div3A_8 : vector<1x256xf32>
    %mul3A = arith.mulf %div3A_3, %div3A_3 : vector<1x256xf32>
    %sub3A = arith.subf %div3A_9, %mul3A : vector<1x256xf32>
    %add3A = arith.constant 9.99999974E-6 : f32
    %add3A_10 = vector.broadcast %add3A : f32 to vector<1x256xf32>
    %add3A_11 = arith.addf %sub3A, %add3A_10 : vector<1x256xf32>
    %rsqrt3A = math.rsqrt %add3A_11 : vector<1x256xf32>
    %get3A_12 = arith.constant 0 : index
    %get3A_13 = arith.constant 0 : index
    %get3A_14 = vector.load %arg1[%get3A_12, %get3A_13] : memref<512x256xf32, #tpu.memory_space<vmem>>, vector<512x256xf32>
    %sub3A_15 = vector.broadcast %div3A_3 : vector<1x256xf32> to vector<512x256xf32>
    %sub3A_16 = arith.subf %get3A_14, %sub3A_15 : vector<512x256xf32>
    %mul3A_17 = vector.broadcast %rsqrt3A : vector<1x256xf32> to vector<512x256xf32>
    %mul3A_18 = arith.mulf %sub3A_16, %mul3A_17 : vector<512x256xf32>
    %get3A_19 = arith.constant 0 : index
    %get3A_20 = arith.constant 0 : index
    %get3A_21 = vector.load %arg8[%get3A_19, %get3A_20] : memref<1x256xf32, #tpu.memory_space<vmem>>, vector<1x256xf32>
    %mul3A_22 = vector.broadcast %get3A_21 : vector<1x256xf32> to vector<512x256xf32>
    %mul3A_23 = arith.mulf %mul3A_18, %mul3A_22 : vector<512x256xf32>
    %get3A_24 = arith.constant 0 : index
    %get3A_25 = arith.constant 0 : index
    %get3A_26 = vector.load %arg9[%get3A_24, %get3A_25] : memref<1x256xf32, #tpu.memory_space<vmem>>, vector<1x256xf32>
    %add3A_27 = vector.broadcast %get3A_26 : vector<1x256xf32> to vector<512x256xf32>
    %add3A_28 = arith.addf %mul3A_23, %add3A_27 : vector<512x256xf32>
    %get3A_29 = arith.constant 0 : index
    %get3A_30 = arith.constant 0 : index
    %get3A_31 = vector.load %arg4[%get3A_29, %get3A_30] : memref<1024x256xf32, #tpu.memory_space<vmem>>, vector<1024x256xf32>
    %dot_general3A = arith.constant dense<0.000000e+00> : vector<512x1024xf32>
    %dot_general3A_32 = tpu.matmul %add3A_28, %get3A_31, %dot_general3A {dimension_numbers = #tpu.dot_dimension_numbers<[1], [1], [0], [0], [0, 0, 1, 0], [], []>, transpose_lhs_hint = false} : vector<512x256xf32>, vector<1024x256xf32>, vector<512x1024xf32> -> vector<512x1024xf32>
    %get3A_33 = arith.constant 0 : index
    %get3A_34 = arith.constant 0 : index
    %get3A_35 = vector.load %arg5[%get3A_33, %get3A_34] : memref<1x1024xf32, #tpu.memory_space<vmem>>, vector<1x1024xf32>
    %add3A_36 = vector.broadcast %get3A_35 : vector<1x1024xf32> to vector<512x1024xf32>
    %add3A_37 = arith.addf %dot_general3A_32, %add3A_36 : vector<512x1024xf32>
    %max3A = arith.constant 0.000000e+00 : f32
    %max3A_38 = vector.broadcast %max3A : f32 to vector<512x1024xf32>
    %max3A_39 = arith.maximumf %add3A_37, %max3A_38 : vector<512x1024xf32>
    %get3A_40 = arith.constant 0 : index
    %get3A_41 = arith.constant 0 : index
    %get3A_42 = vector.load %arg6[%get3A_40, %get3A_41] : memref<256x1024xf32, #tpu.memory_space<vmem>>, vector<256x1024xf32>
    %dot_general3A_43 = arith.constant dense<0.000000e+00> : vector<512x256xf32>
    %dot_general3A_44 = tpu.matmul %max3A_39, %get3A_42, %dot_general3A_43 {dimension_numbers = #tpu.dot_dimension_numbers<[1], [1], [0], [0], [0, 0, 1, 0], [], []>, transpose_lhs_hint = false} : vector<512x1024xf32>, vector<256x1024xf32>, vector<512x256xf32> -> vector<512x256xf32>
    %get3A_45 = arith.constant 0 : index
    %get3A_46 = arith.constant 0 : index
    %get3A_47 = vector.load %arg7[%get3A_45, %get3A_46] : memref<1x256xf32, #tpu.memory_space<vmem>>, vector<1x256xf32>
    %add3A_48 = vector.broadcast %get3A_47 : vector<1x256xf32> to vector<512x256xf32>
    %add3A_49 = arith.addf %dot_general3A_44, %add3A_48 : vector<512x256xf32>
    %add3A_50 = arith.addf %add3A_28, %add3A_49 : vector<512x256xf32>
    %swap3A = arith.constant 0 : index
    %swap3A_51 = arith.constant 0 : index
    %swap3A_52 = vector.load %arg10[%swap3A, %swap3A_51] : memref<512x256xf32, #tpu.memory_space<vmem>>, vector<512x256xf32>
    tpu.vector_store %arg10[%swap3A, %swap3A_51], %add3A_50 {strides = array<i32>} : memref<512x256xf32, #tpu.memory_space<vmem>>, vector<512x256xf32>,
    %reduce_sum3A = arith.constant dense<0.000000e+00> : vector<256xf32>
    %reduce_sum3A_53 = vector.multi_reduction <add>, %add3A_50, %reduce_sum3A [0] : vector<512x256xf32> to vector<256xf32>
    %broadcast_in_dim3A = vector.shape_cast %reduce_sum3A_53 : vector<256xf32> to vector<1x256xf32>
    %mul3A_54 = arith.mulf %add3A_50, %add3A_50 : vector<512x256xf32>
    %reduce_sum3A_55 = arith.constant dense<0.000000e+00> : vector<256xf32>
    %reduce_sum3A_56 = vector.multi_reduction <add>, %mul3A_54, %reduce_sum3A_55 [0] : vector<512x256xf32> to vector<256xf32>
    %broadcast_in_dim3A_57 = vector.shape_cast %reduce_sum3A_56 : vector<256xf32> to vector<1x256xf32>
    %eq3A = arith.constant 0 : i32
    %eq3A_58 = arith.cmpi eq, %arg0, %eq3A : i32
    %convert_element_type3A = arith.extui %eq3A_58 : i1 to i32
    %cond3A = arith.constant 0 : i32
    %cond3A_59 = arith.cmpi ne, %convert_element_type3A, %cond3A : i32
    scf.if %cond3A_59 {
      %swap3A_64 = arith.constant 0 : index
      %swap3A_65 = arith.constant 0 : index
      %swap3A_66 = vector.load %arg11[%swap3A_64, %swap3A_65] : memref<1x256xf32, #tpu.memory_space<vmem>>, vector<1x256xf32>
      tpu.vector_store %arg11[%swap3A_64, %swap3A_65], %broadcast_in_dim3A {strides = array<i32>} : memref<1x256xf32, #tpu.memory_space<vmem>>, vector<1x256xf32>,
      %swap3A_67 = arith.constant 0 : index
      %swap3A_68 = arith.constant 0 : index
      %swap3A_69 = vector.load %arg12[%swap3A_67, %swap3A_68] : memref<1x256xf32, #tpu.memory_space<vmem>>, vector<1x256xf32>
      tpu.vector_store %arg12[%swap3A_67, %swap3A_68], %broadcast_in_dim3A_57 {strides = array<i32>} : memref<1x256xf32, #tpu.memory_space<vmem>>, vector<1x256xf32>,
    } else {
    }
    %gt3A = arith.constant 0 : i32
    %gt3A_60 = arith.cmpi sgt, %arg0, %gt3A : i32
    %convert_element_type3A_61 = arith.extui %gt3A_60 : i1 to i32
    %cond3A_62 = arith.constant 0 : i32
    %cond3A_63 = arith.cmpi ne, %convert_element_type3A_61, %cond3A_62 : i32
    scf.if %cond3A_63 {
      %get3A_64 = arith.constant 0 : index
      %get3A_65 = arith.constant 0 : index
      %get3A_66 = vector.load %arg11[%get3A_64, %get3A_65] : memref<1x256xf32, #tpu.memory_space<vmem>>, vector<1x256xf32>
      %add3A_67 = arith.addf %get3A_66, %broadcast_in_dim3A : vector<1x256xf32>
      %swap3A_68 = arith.constant 0 : index
      %swap3A_69 = arith.constant 0 : index
      %swap3A_70 = vector.load %arg11[%swap3A_68, %swap3A_69] : memref<1x256xf32, #tpu.memory_space<vmem>>, vector<1x256xf32>
      tpu.vector_store %arg11[%swap3A_68, %swap3A_69], %add3A_67 {strides = array<i32>} : memref<1x256xf32, #tpu.memory_space<vmem>>, vector<1x256xf32>,
      %get3A_71 = arith.constant 0 : index
      %get3A_72 = arith.constant 0 : index
      %get3A_73 = vector.load %arg12[%get3A_71, %get3A_72] : memref<1x256xf32, #tpu.memory_space<vmem>>, vector<1x256xf32>
      %add3A_74 = arith.addf %get3A_73, %broadcast_in_dim3A_57 : vector<1x256xf32>
      %swap3A_75 = arith.constant 0 : index
      %swap3A_76 = arith.constant 0 : index
      %swap3A_77 = vector.load %arg12[%swap3A_75, %swap3A_76] : memref<1x256xf32, #tpu.memory_space<vmem>>, vector<1x256xf32>
      tpu.vector_store %arg12[%swap3A_75, %swap3A_76], %add3A_74 {strides = array<i32>} : memref<1x256xf32, #tpu.memory_space<vmem>>, vector<1x256xf32>,
    } else {
    }
    return
  }
  func.func @transform_0(%arg0: i32) -> (i32, i32) {
    %c0_i32 = arith.constant 0 : i32
    %c0_i32_0 = arith.constant 0 : i32
    return %arg0, %c0_i32 : i32, i32
  }
  func.func @transform_1(%arg0: i32) -> (i32, i32) {
    %c0_i32 = arith.constant 0 : i32
    %c0_i32_0 = arith.constant 0 : i32
    %c0_i32_1 = arith.constant 0 : i32
    return %c0_i32, %c0_i32_0 : i32, i32
  }
  func.func @transform_2(%arg0: i32) -> (i32, i32) {
    %c0_i32 = arith.constant 0 : i32
    %c0_i32_0 = arith.constant 0 : i32
    %c0_i32_1 = arith.constant 0 : i32
    return %c0_i32, %c0_i32_0 : i32, i32
  }
  func.func @transform_3(%arg0: i32) -> (i32, i32) {
    %c0_i32 = arith.constant 0 : i32
    %c0_i32_0 = arith.constant 0 : i32
    %c0_i32_1 = arith.constant 0 : i32
    return %c0_i32, %c0_i32_0 : i32, i32
  }
  func.func @transform_4(%arg0: i32) -> (i32, i32) {
    %c0_i32 = arith.constant 0 : i32
    %c0_i32_0 = arith.constant 0 : i32
    %c0_i32_1 = arith.constant 0 : i32
    return %c0_i32, %c0_i32_0 : i32, i32
  }
  func.func @transform_5(%arg0: i32) -> (i32, i32) {
    %c0_i32 = arith.constant 0 : i32
    %c0_i32_0 = arith.constant 0 : i32
    %c0_i32_1 = arith.constant 0 : i32
    return %c0_i32, %c0_i32_0 : i32, i32
  }
  func.func @transform_6(%arg0: i32) -> (i32, i32) {
    %c0_i32 = arith.constant 0 : i32
    %c0_i32_0 = arith.constant 0 : i32
    %c0_i32_1 = arith.constant 0 : i32
    return %c0_i32, %c0_i32_0 : i32, i32
  }
  func.func @transform_7(%arg0: i32) -> (i32, i32) {
    %c0_i32 = arith.constant 0 : i32
    %c0_i32_0 = arith.constant 0 : i32
    %c0_i32_1 = arith.constant 0 : i32
    return %c0_i32, %c0_i32_0 : i32, i32
  }
  func.func @transform_8(%arg0: i32) -> (i32, i32) {
    %c0_i32 = arith.constant 0 : i32
    %c0_i32_0 = arith.constant 0 : i32
    %c0_i32_1 = arith.constant 0 : i32
    return %c0_i32, %c0_i32_0 : i32, i32
  }
  func.func @transform_9(%arg0: i32) -> (i32, i32) {
    %c0_i32 = arith.constant 0 : i32
    %c0_i32_0 = arith.constant 0 : i32
    return %arg0, %c0_i32 : i32, i32
  }
  func.func @transform_10(%arg0: i32) -> (i32, i32) {
    %c0_i32 = arith.constant 0 : i32
    %c0_i32_0 = arith.constant 0 : i32
    %c0_i32_1 = arith.constant 0 : i32
    return %c0_i32, %c0_i32_0 : i32, i32
  }
  func.func @transform_11(%arg0: i32) -> (i32, i32) {
    %c0_i32 = arith.constant 0 : i32
    %c0_i32_0 = arith.constant 0 : i32
    %c0_i32_1 = arith.constant 0 : i32
    return %c0_i32, %c0_i32_0 : i32, i32
  }
}

module attributes {stable_mosaic.version = 14 : i64} {
  func.func @_out_body(%arg0: i32, %arg1: i32, %arg2: memref<512x256xf32, #tpu.memory_space<vmem>>, %arg3: memref<1x256xf32, #tpu.memory_space<vmem>>, %arg4: memref<1x256xf32, #tpu.memory_space<vmem>>, %arg5: memref<1x256xf32, #tpu.memory_space<vmem>>, %arg6: memref<1x256xf32, #tpu.memory_space<vmem>>, %arg7: memref<1x256x512xf32, #tpu.memory_space<vmem>>) attributes {dimension_semantics = [#tpu.dimension_semantics<arbitrary>, #tpu.dimension_semantics<arbitrary>], iteration_bounds = array<i64: 2, 4>, scalar_prefetch = 0 : i64, scratch_operands = 0 : i64, tpu.core_type = #tpu.core_type<tc>, window_params = [{transform_indices = @transform_0, window_bounds = array<i64: 512, 256>}, {pipeline_mode = #tpu.pipeline_mode<synchronous>, transform_indices = @transform_1, window_bounds = array<i64: 1, 256>}, {pipeline_mode = #tpu.pipeline_mode<synchronous>, transform_indices = @transform_2, window_bounds = array<i64: 1, 256>}, {pipeline_mode = #tpu.pipeline_mode<synchronous>, transform_indices = @transform_3, window_bounds = array<i64: 1, 256>}, {pipeline_mode = #tpu.pipeline_mode<synchronous>, transform_indices = @transform_4, window_bounds = array<i64: 1, 256>}, {transform_indices = @transform_5, window_bounds = array<i64: 1, 256, 512>}]} {
    %get3A = arith.constant 0 : index
    %get3A_0 = arith.constant 0 : index
    %get3A_1 = vector.load %arg3[%get3A, %get3A_0] : memref<1x256xf32, #tpu.memory_space<vmem>>, vector<1x256xf32>
    %div3A = arith.constant 4.096000e+03 : f32
    %div3A_2 = vector.broadcast %div3A : f32 to vector<1x256xf32>
    %div3A_3 = arith.divf %get3A_1, %div3A_2 : vector<1x256xf32>
    %get3A_4 = arith.constant 0 : index
    %get3A_5 = arith.constant 0 : index
    %get3A_6 = vector.load %arg4[%get3A_4, %get3A_5] : memref<1x256xf32, #tpu.memory_space<vmem>>, vector<1x256xf32>
    %div3A_7 = arith.constant 4.096000e+03 : f32
    %div3A_8 = vector.broadcast %div3A_7 : f32 to vector<1x256xf32>
    %div3A_9 = arith.divf %get3A_6, %div3A_8 : vector<1x256xf32>
    %mul3A = arith.mulf %div3A_3, %div3A_3 : vector<1x256xf32>
    %sub3A = arith.subf %div3A_9, %mul3A : vector<1x256xf32>
    %add3A = arith.constant 9.99999974E-6 : f32
    %add3A_10 = vector.broadcast %add3A : f32 to vector<1x256xf32>
    %add3A_11 = arith.addf %sub3A, %add3A_10 : vector<1x256xf32>
    %rsqrt3A = math.rsqrt %add3A_11 : vector<1x256xf32>
    %get3A_12 = arith.constant 0 : index
    %get3A_13 = arith.constant 0 : index
    %get3A_14 = vector.load %arg2[%get3A_12, %get3A_13] : memref<512x256xf32, #tpu.memory_space<vmem>>, vector<512x256xf32>
    %sub3A_15 = vector.broadcast %div3A_3 : vector<1x256xf32> to vector<512x256xf32>
    %sub3A_16 = arith.subf %get3A_14, %sub3A_15 : vector<512x256xf32>
    %mul3A_17 = vector.broadcast %rsqrt3A : vector<1x256xf32> to vector<512x256xf32>
    %mul3A_18 = arith.mulf %sub3A_16, %mul3A_17 : vector<512x256xf32>
    %get3A_19 = arith.constant 0 : index
    %get3A_20 = arith.constant 0 : index
    %get3A_21 = vector.load %arg5[%get3A_19, %get3A_20] : memref<1x256xf32, #tpu.memory_space<vmem>>, vector<1x256xf32>
    %mul3A_22 = vector.broadcast %get3A_21 : vector<1x256xf32> to vector<512x256xf32>
    %mul3A_23 = arith.mulf %mul3A_18, %mul3A_22 : vector<512x256xf32>
    %get3A_24 = arith.constant 0 : index
    %get3A_25 = arith.constant 0 : index
    %get3A_26 = vector.load %arg6[%get3A_24, %get3A_25] : memref<1x256xf32, #tpu.memory_space<vmem>>, vector<1x256xf32>
    %add3A_27 = vector.broadcast %get3A_26 : vector<1x256xf32> to vector<512x256xf32>
    %add3A_28 = arith.addf %mul3A_23, %add3A_27 : vector<512x256xf32>
    %transpose3A = tpu.transpose %add3A_28, [1, 0] : vector<512x256xf32> -> vector<256x512xf32>
    %broadcast_in_dim3A = vector.shape_cast %transpose3A : vector<256x512xf32> to vector<1x256x512xf32>
    %swap3A = arith.constant 0 : index
    %swap3A_29 = arith.constant 0 : index
    %swap3A_30 = arith.constant 0 : index
    %swap3A_31 = vector.load %arg7[%swap3A, %swap3A_29, %swap3A_30] : memref<1x256x512xf32, #tpu.memory_space<vmem>>, vector<1x256x512xf32>
    tpu.vector_store %arg7[%swap3A, %swap3A_29, %swap3A_30], %broadcast_in_dim3A {strides = array<i32>} : memref<1x256x512xf32, #tpu.memory_space<vmem>>, vector<1x256x512xf32>,
    return
  }
  func.func @transform_0(%arg0: i32, %arg1: i32) -> (i32, i32) {
    %mul3A = arith.constant 4 : i32
    %mul3A_0 = arith.muli %arg0, %mul3A : i32
    %add3A = arith.addi %mul3A_0, %arg1 : i32
    %c0_i32 = arith.constant 0 : i32
    %c0_i32_1 = arith.constant 0 : i32
    return %add3A, %c0_i32 : i32, i32
  }
  func.func @transform_1(%arg0: i32, %arg1: i32) -> (i32, i32) {
    %c0_i32 = arith.constant 0 : i32
    %c0_i32_0 = arith.constant 0 : i32
    %c0_i32_1 = arith.constant 0 : i32
    return %c0_i32, %c0_i32_0 : i32, i32
  }
  func.func @transform_2(%arg0: i32, %arg1: i32) -> (i32, i32) {
    %c0_i32 = arith.constant 0 : i32
    %c0_i32_0 = arith.constant 0 : i32
    %c0_i32_1 = arith.constant 0 : i32
    return %c0_i32, %c0_i32_0 : i32, i32
  }
  func.func @transform_3(%arg0: i32, %arg1: i32) -> (i32, i32) {
    %c0_i32 = arith.constant 0 : i32
    %c0_i32_0 = arith.constant 0 : i32
    %c0_i32_1 = arith.constant 0 : i32
    return %c0_i32, %c0_i32_0 : i32, i32
  }
  func.func @transform_4(%arg0: i32, %arg1: i32) -> (i32, i32) {
    %c0_i32 = arith.constant 0 : i32
    %c0_i32_0 = arith.constant 0 : i32
    %c0_i32_1 = arith.constant 0 : i32
    return %c0_i32, %c0_i32_0 : i32, i32
  }
  func.func @transform_5(%arg0: i32, %arg1: i32) -> (i32, i32, i32) {
    %c0_i32 = arith.constant 0 : i32
    %c0_i32_0 = arith.constant 0 : i32
    return %arg0, %c0_i32, %arg1 : i32, i32, i32
  }
}

</mosaic_0001>

<sc_bundles>
// kernel: kernel.8.cloned.1.call-start
scs
__scs_entry_jumppad:
0x0: {  	(pc) =	sbr.rel $0x88, $3  }
0x1: {  	(tag) =	ssettag $0x0;
	lr =	simm.s32 $0x1  }
0x2: {  	[smem:$0x3F90] =	sst lr;
	_ =	strace $0xD0000000  }
0x3: {  	_ = 	snop  }
0x4: {  	_ = 	snop  }
0x5: {  	_ = 	snop  }
0x6: {  	_ = 	snop  }
0x7: {  	_ = 	snop  }
__scs_overlays_trampoline_lowered:
0x8: {  	[smem:$0x3F9F] =	sst s0  }
0x9: {  	[smem:$0x3FA0] =	sst s1  }
0xa: {  	[smem:$0x3FA1] =	sst s2  }
0xb: {  	[smem:$0x3FA2] =	sst s3  }
0xc: {  	[smem:$0x3FA3] =	sst s4  }
0xd: {  	[smem:$0x3FA4] =	sst s5  }
0xe: {  	[smem:$0x3FA5] =	sst s6  }
0xf: {  	[smem:$0x3FA6] =	sst s7  }
0x10: {  	[smem:$0x3FA7] =	sst s8  }
0x11: {  	[smem:$0x3FA8] =	sst s9;
	s0 =	simm.s32 @!p0 $0x0  }
0x12: {  	s1 =	sld [smem:$0x3F8E];
	s0 =	simm.s32 @p0 $0x1  }
0x13: {  	[smem:$0x3FA9] =	sst s0;
	s0 =	simm.s32 @!p1 $0x0  }
0x14: {  	s2 =	sld [smem:$0x3F8D];
	s0 =	simm.s32 @p1 $0x1  }
0x15: {  	[smem:$0x3FAA] =	sst s0;
	s0 =	simm.s32 @!p2 $0x0  }
0x16: {  	s3 =	sld [smem:$0x3FDB];
	s0 =	simm.s32 @p2 $0x1  }
0x17: {  	s4 =	simm.s32 $0x1BF5;
	[smem:$0x3FAC] =	sst s0  }
0x18: {  	s0 =	sld [smem:$0x3F8F];
	_ =	swait.ge [sflag:s4], $0x0  }
0x19: {  	s7 =	sld [smem:$0x3F90]  }
0x1a: {  	s8 =	sadd.s32 $0xFFFFE003, lr  }
0x1b: {  	s9 =	sadd.s32 $0xFFFFFEF7, lr;
	s5 =	simm.s32 $0xFFFFFFFF;
	p2 =	slt.u32 s8, $0xFFFFF086  }
0x1c: {  	p1 =	slt.u32 s9, $0xF7A;
	s5 =	simm.s32 @!p2 $0x0  }
0x1d: {  	s5 =	simm.s32 @p1 $0x1;
	p0 =	seq.s32 s7, s2  }
0x1e: {  	s7 =	smul.u32 @!p0 $0xF7A, s2;
	p2 =	seq.s32 @!p0 s5, $0x0  }
0x1f: {  	s9 =	smul.u32 $0xF7A, s1;
	s8 =	simm.s32 @!p0 $0x1BF5;
	p2 =	por !p2, p0  }
0x20: {  	[sflag:s8] =	ssyncset.s32 @!p0 $0xFFFFF086;
	s6 =	sadd.s32 @!p0 s3, s7;
	s7 =	simm.s32 @!p0 $0x108  }
0x21: {  	s3 =	sadd.s32 s3, s9;
	s6 =	sadd.s32 @!p0 $0x88, s6;
	s7 =	simm.s32 @p2 $0x1082  }
0x22: {  	[simem:s7], [sflag:s8] =	dma.local @!p0 [hbm:s6], $0xF7A  }
0x23: {  	s9 =	sor.u32 $0xD0000000, s2;
	s6 =	simm.s32 $0x108;
	_ =	swait.ge @!p0 [sflag:s8], $0x0  }
0x24: {  	s3 =	sadd.s32 $0x88, s3;
	s6 =	simm.s32 @!p1 $0x1082;
	[sflag:s4] =	ssyncset.s32 $0xFFFFF086  }
0x25: {  	[simem:s6], [sflag:s4] =	dma.local [hbm:s3], $0xF7A  }
0x26: {  	[smem:$0x3F90] =	sst s1;
	(tag) =	ssettag s2;
	_ =	strace s9  }
0x27: {  	s1 =	sld [smem:$0x3FA0]  }
0x28: {  	s2 =	sld [smem:$0x3FA1]  }
0x29: {  	s4 =	sld [smem:$0x3FA3]  }
0x2a: {  	p0 =	seq.s32 s5, $0x0;
	s5 =	sld [smem:$0x3FA4]  }
0x2b: {  	s6 =	sld [smem:$0x3FA5]  }
0x2c: {  	s7 =	sld [smem:$0x3FA6]  }
0x2d: {  	s3 =	simm.s32 $0x108;
	s8 =	sld [smem:$0x3FA7]  }
0x2e: {  	s3 =	simm.s32 @!p0 $0x1082;
	s9 =	sld [smem:$0x3FA8]  }
0x2f: {  	lr =	sadd.s32 s0, s3;
	s0 =	sld [smem:$0x3F9F]  }
0x30: {  	s3 =	sld [smem:$0x3FA2]  }
0x31: {  	[smem:$0x3FAB] =	sst s10  }
0x32: {  	s10 =	sld [smem:$0x3FA9];
	_ =	sdelay $0x3  }
0x33: {  	p0 =	seq.s32 s10, $0x1;
	s10 =	sld [smem:$0x3FAB];
	_ =	sdelay $0x3  }
0x34: {  	[smem:$0x3FAB] =	sst s10  }
0x35: {  	s10 =	sld [smem:$0x3FAA];
	_ =	sdelay $0x3  }
0x36: {  	p1 =	seq.s32 s10, $0x1;
	s10 =	sld [smem:$0x3FAB];
	_ =	sdelay $0x3  }
0x37: {  	[smem:$0x3FAB] =	sst s10  }
0x38: {  	s10 =	sld [smem:$0x3FAC]  }
0x39: {  	_ = 	snop;
	(pc) =	sbr.ind lr, $3  }
0x3a: {  	_ = 	snop  }
0x3b: {  	_ = 	snop  }
0x3c: {  	p2 =	seq.s32 s10, $0x1;
	s10 =	sld [smem:$0x3FAB]  }
0x3d: {  	_ =	shalt  }
0x3e: {  	_ =	shalt  }
0x3f: {  	_ =	shalt  }
0x40: {  	_ =	shalt  }
0x41: {  	_ =	shalt  }
0x42: {  	_ =	shalt  }
0x43: {  	_ =	shalt  }
0x44: {  	_ =	shalt  }
0x45: {  	_ =	shalt  }
0x46: {  	_ =	shalt  }
0x47: {  	_ =	shalt  }
0x48: {  	_ =	shalt  }
0x49: {  	_ =	shalt  }
0x4a: {  	_ =	shalt  }
0x4b: {  	_ =	shalt  }
0x4c: {  	_ =	shalt  }
0x4d: {  	_ =	shalt  }
0x4e: {  	_ =	shalt  }
0x4f: {  	_ =	shalt  }
0x50: {  	_ =	shalt  }
0x51: {  	_ =	shalt  }
0x52: {  	_ =	shalt  }
0x53: {  	_ =	shalt  }
0x54: {  	_ =	shalt  }
0x55: {  	_ =	shalt  }
0x56: {  	_ =	shalt  }
0x57: {  	_ =	shalt  }
0x58: {  	_ =	shalt  }
0x59: {  	_ =	shalt  }
0x5a: {  	_ =	shalt  }
0x5b: {  	_ =	shalt  }
0x5c: {  	_ =	shalt  }
0x5d: {  	_ =	shalt  }
0x5e: {  	_ =	shalt  }
0x5f: {  	_ =	shalt  }
0x60: {  	_ =	shalt  }
0x61: {  	_ =	shalt  }
0x62: {  	_ =	shalt  }
0x63: {  	_ =	shalt  }
0x64: {  	_ =	shalt  }
0x65: {  	_ =	shalt  }
0x66: {  	_ =	shalt  }
0x67: {  	_ =	shalt  }
0x68: {  	_ =	shalt  }
0x69: {  	_ =	shalt  }
0x6a: {  	_ =	shalt  }
0x6b: {  	_ =	shalt  }
0x6c: {  	_ =	shalt  }
0x6d: {  	_ =	shalt  }
0x6e: {  	_ =	shalt  }
0x6f: {  	_ =	shalt  }
0x70: {  	_ =	shalt  }
0x71: {  	_ =	shalt  }
0x72: {  	_ =	shalt  }
0x73: {  	_ =	shalt  }
0x74: {  	_ =	shalt  }
0x75: {  	_ =	shalt  }
0x76: {  	_ =	shalt  }
0x77: {  	_ =	shalt  }
0x78: {  	_ =	shalt  }
0x79: {  	_ =	shalt  }
0x7a: {  	_ =	shalt  }
0x7b: {  	_ =	shalt  }
0x7c: {  	_ =	shalt  }
0x7d: {  	_ =	shalt  }
0x7e: {  	_ =	shalt  }
0x7f: {  	_ =	shalt  }
0x80: {  	_ =	shalt  }
0x81: {  	_ =	shalt  }
0x82: {  	_ =	shalt  }
0x83: {  	_ =	shalt  }
0x84: {  	_ =	shalt  }
0x85: {  	_ =	shalt  }
0x86: {  	_ =	shalt  }
0x87: {  	_ =	shalt  }
.Lfunc_end0:
.L_simem_size_0:
called_computation_lowered:
.L_overlay_start_0:
0x88: {  	s2 =	sld [smem:$0x3FD9]  }
0x89: {  	s3 =	sld [smem:$0x3FFE];
	_ =	sdelay $0x1  }
0x8a: {  	s1 =	srdreg.scid  }
0x8b: {  	s0 =	sand.u32 $0x1, s1  }
0x8c: {  	s17 =	sshll.u32 s0, $0xA;
	s2 =	sadd.s32 s3, s2  }
0x8d: {  	s2 =	sadd.s32 s2, s17  }
0x8e: {  	[smem:$0x3FB7] =	sst s2  }
0x8f: {  	_ = 	snop  }
0x90: {  	s2 =	sld [smem:$0x3FD0];
	(tm) =	ssettm $0x1  }
0x91: {  	s18 =	sld [smem:$0x3FFB];
	_ =	sdelay $0x3  }
0x92: {  	_ =	strace s18  }
0x93: {  	s3 =	sld [smem:$0x3FFC];
	_ =	sdelay $0x3  }
0x94: {  	_ =	strace s3  }
0x95: {  	s3 =	sld [smem:$0x3FFD];
	_ =	sdelay $0x3  }
0x96: {  	_ =	strace s3  }
0x97: {  	_ =	strace $0x8FFFFFFF  }
0x98: {  	s19 =	sld [smem:$0x3FDB];
	_ =	sdelay $0x1  }
0x99: {  	s4 =	simm.s32 $_scs_section_size  }
0x9a: {  	s5 =	simm.s32 $_size__tile_overlayer_lowered;
	s6 =	simm.s32 $_tile_overlayer_lowered  }
0x9b: {  	s22 =	simm.s32 $0x1BFF;
	s21 =	sshll.u32 s6, $0x1;
	s3 =	sadd.s32 s4, s19  }
0x9c: {  	s7 =	simm.s32 $0x0;
	s20 =	sshll.u32 s5, $0x1;
	s5 =	sadd.s32 s21, s3  }
0x9d: {  	[timem:s7], [sflag:s22] =	dma.local [hbm:s5], s20  }
0x9e: {  	_ =	swait.ge [sflag:s22], s20  }
0x9f: {  	s4 =	ssub.s32 $0x0, s20;
	[sflag:s22] =	ssyncset.done $0x0  }
0xa0: {  	[sflag:s22] =	ssyncadd.s32 s4;
	_ =	sdelay $0x1  }
0xa1: {  	s23 =	simm.s32 $0x1B8B  }
0xa2: {  	_ =	swait.ge [sflag:s23], $0x1  }
0xa3: {  	[sflag:s23] =	ssyncset.done $0x0  }
0xa4: {  	s25 =	simm.s32 $0x1B8E;
	s24 =	sld [smem:$0x3FFE];
	[sflag:s23] =	ssyncadd.s32 $0xFFFFFFFF  }
0xa5: {  	s26 =	simm.s32 $execute0_lowered;
	[smem:$0x3FD2] =	sst s25  }
0xa6: {  	s5 =	sshll.u32 s26, $0x1;
	_ =	strace $0x80000046;
	[dreg:$0x1] =	wrdreg $0xFFFFFFFF  }
0xa7: {  	s28 =	simm.s32 $_size_execute0_lowered;
	s3 =	sadd.s32 s3, s5;
	[dreg:$0x0] =	wrdreg $0x0  }
0xa8: {  	s5 =	sshll.u32 s28, $0x1;
	[dreg:$0x2] =	wrdreg s3  }
0xa9: {  	[dreg:$0x3] =	wrdreg s5  }
0xaa: {  	[dreg:$0x4] =	wrdreg $0xC0  }
0xab: {  	_ =	task [dreg:s7], $0x5FFFF  }
0xac: {  	[dreg:$0x1] =	wrdreg $0xFFFFFFFF  }
0xad: {  	[dreg:$0x0] =	wrdreg $0x60  }
0xae: {  	[dreg:$0x2] =	wrdreg s24  }
0xaf: {  	[dreg:$0x3] =	wrdreg s2  }
0xb0: {  	[dreg:$0x4] =	wrdreg $0x9  }
0xb1: {  	_ =	task.clear_ibuf [dreg:s7], $0x5FFFF;
	_ =	strace $0x90000046  }
0xb2: {  	s29 =	simm.s32 $0x9;
	_ =	strace $0x80000048  }
0xb3: {  	_ =	swait.ge [sflag:s29], $0x1  }
0xb4: {  	[sflag:s29] =	ssyncadd.s32 $0xFFFFFFFF  }
0xb5: {  	_ =	strace $0x90000048  }
0xb6: {  	_ =	sfence  }
0xb7: {  	s30 =	sld [smem:$0x0];
	_ =	sdelay $0x2  }
0xb8: {  	s31 =	sshll.u32 s1, $0xD;
	s1 =	sshrl.u32 s1, $0x2  }
0xb9: {  	s3 =	sand.u32 $0x4000, s31;
	s1 =	sadd.s32 s1, s30  }
0xba: {  	s0 =	sor.u32 s3, s0;
	s1 =	sshll.u32 s1, $0x11  }
0xbb: {  	s0 =	sor.u32 s1, s0  }
0xbc: {  	s0 =	sadd.s32 $0x8F2B, s0  }
0xbd: {  	[sflag:s0] =	ssyncadd.remote.s32 $0x1  }
0xbe: {  	_ =	sfence.sel $0xFFFF  }
0xbf: {  	[dreg:$0x0] =	wrdreg $0xFFFFFFFF;
	(pc) =	sbr.abs _section_cstart, $3  }
0xc0: {  	[dreg:$0x1] =	wrdreg $0xFFFFFFFF  }
0xc1: {  	_ =	task.clear_ibuf [dreg:s7], $0x2FFFF;
	_ =	strace $0x9FFFFFFF  }
0xc2: {  	(tm) =	ssettm $0x7FFFFFFF  }
0xc3: {  	_ =	shalt  }
tec
execute0_lowered:
.L_overlay_start_1:
0x0: {  	(tag) =	ssettag $0x1  }
0x1: {  	s6 =	rddreg [dreg:$0x0]  }
0x2: {  	s2 =	rddreg [dreg:$0x1];
	s3 =	srdreg.scid  }
0x3: {  	s0 =	rddreg [dreg:$0x2];
	s1 =	stileid.u32  }
0x4: {  	s12 =	simm.s32 $0x80;
	s13 =	simm.s32 $0x800;
	s14 =	simm.s32 $0x8800  }
0x5: {  	s15 =	simm.s32 $0x10800;
	s16 =	simm.s32 $0x4800;
	s17 =	simm.s32 $0xC800  }
0x6: {  	s18 =	simm.s32 $0x14800;
	s19 =	simm.s32 $0x1;
	s20 =	simm.s32 $0x2  }
0x7: {  	s21 =	simm.s32 $0x0;
	s7 =	sand.u32 $0x1, s3;
	s3 =	simm.s32 $0x0  }
0x8: {  	s4 =	sshll.u32 s1, $0x9;
	s9 =	sshll.u32 s1, $0x10;
	s5 =	sshll.u32 s7, $0x8  }
0x9: {  	[smem:$0x7FF] =	sst s3;
	s10 =	ssub.s32 $0x2, s7;
	s9 =	sadd.s32 s9, s6  }
0xa: {  	s7 =	sshll.u32 s7, $0xF;
	s4 =	sor.u32 s5, s4;
	_ =	strace $0x80000047  }
0xb: {  	s5 =	sadd.s32 $0x13600, s6;
	s31 =	sshrl.u32 s10, $0x1;
	s11 =	sadd.s32 s7, s9  }
0xc: {  	s8 =	sadd.s32 s4, s6;
	s4 =	sadd.s32 $0x3600, s6;
	s10 =	ssub.s32 s10, s31  }
0xd: {  	s9 =	sadd.s32 $0x125600, s11;
	s6 =	sadd.s32 $0x23600, s8;
	s7 =	smax.u32 s10, $0x1  }
0xe: {  	s8 =	sadd.s32 $0x225600, s11;
	s10 =	sadd.s32 $0x25600, s11;
	s11 =	simm.s32 $0x3  }
.LBB2_1:
0xf: {  	[tilespmem:s3], [sflag:$0x3] =	stream.linear.gather [hbm4b:s6+s3], $0x800, $0x38;
	[tilespmem:$0x18800] =	vst v63  }
0x10: {  	_ =	swait.ge [sflag:s11], $0x800  }
0x11: {  	[sflag:s11] =	ssyncset.done $0x0  }
0x12: {  	[sflag:s11] =	ssyncadd.s32 $0xFFFFF800  }
0x13: {  	[tilespmem:s13], [sflag:$0x1] =	stream.indirect.gather [hbm4b:s2+s12], $0x80, s3, s12, $0xb8;
	[tilespmem:$0x18800] =	vst v63  }
0x14: {  	_ = 	snop  }
0x15: {  	[tilespmem:s14], [sflag:$0x1] =	stream.indirect.gather [hbm4b:s4+s12], $0x80, s3, s12, $0xb8;
	[tilespmem:$0x18800] =	vst v63  }
0x16: {  	_ = 	snop  }
0x17: {  	[tilespmem:s15], [sflag:$0x1] =	stream.indirect.gather [hbm4b:s5+s12], $0x80, s3, s12, $0xb8;
	[tilespmem:$0x18800] =	vst v63  }
0x18: {  	s22 =	simm.s32 $0x80  }
0x19: {  	[tilespmem:s16], [sflag:$0x2] =	stream.indirect.gather [hbm4b:s2+s12], $0x80, s22, s12, $0xb8;
	[tilespmem:$0x18800] =	vst v63  }
0x1a: {  	_ = 	snop  }
0x1b: {  	[tilespmem:s17], [sflag:$0x2] =	stream.indirect.gather [hbm4b:s4+s12], $0x80, s22, s12, $0xb8;
	[tilespmem:$0x18800] =	vst v63  }
0x1c: {  	_ = 	snop  }
0x1d: {  	[tilespmem:s18], [sflag:$0x2] =	stream.indirect.gather [hbm4b:s5+s12], $0x80, s22, s12, $0xb8;
	[tilespmem:$0x18800] =	vst v63  }
0x1e: {  	_ =	swait.ge [sflag:s19], $0x4000  }
0x1f: {  	[sflag:s19] =	ssyncset.done $0x0  }
0x20: {  	[sflag:s19] =	ssyncadd.s32 $0xFFFFC000  }
0x21: {  	_ =	swait.ge [sflag:s19], $0x4000  }
0x22: {  	[sflag:s19] =	ssyncset.done $0x0  }
0x23: {  	[sflag:s19] =	ssyncadd.s32 $0xFFFFC000  }
0x24: {  	_ =	swait.ge [sflag:s19], $0x4000  }
0x25: {  	[sflag:s19] =	ssyncset.done $0x0  }
0x26: {  	s29 =	sadd.s32 $0x0, s10;
	[sflag:s19] =	ssyncadd.s32 $0xFFFFC000  }
0x27: {  	[hbm4b:s29+s3] =	stream.linear.scatter [tilespmem:s13], [sflag:$0x3], $0x4000, $0x38;
	[tilespmem:$0x18800] =	vst v63  }
0x28: {  	_ =	swait.ge [sflag:s11], $0x4000  }
0x29: {  	[sflag:s11] =	ssyncset.done $0x0  }
0x2a: {  	s23 =	sadd.s32 $0x0, s9;
	[sflag:s11] =	ssyncadd.s32 $0xFFFFC000  }
0x2b: {  	[hbm4b:s23+s3] =	stream.linear.scatter [tilespmem:s14], [sflag:$0x3], $0x4000, $0x38;
	[tilespmem:$0x18800] =	vst v63  }
0x2c: {  	_ =	swait.ge [sflag:s11], $0x4000  }
0x2d: {  	[sflag:s11] =	ssyncset.done $0x0  }
0x2e: {  	s24 =	sadd.s32 $0x0, s8;
	[sflag:s11] =	ssyncadd.s32 $0xFFFFC000  }
0x2f: {  	[hbm4b:s24+s3] =	stream.linear.scatter [tilespmem:s15], [sflag:$0x3], $0x4000, $0x38;
	[tilespmem:$0x18800] =	vst v63  }
0x30: {  	_ =	swait.ge [sflag:s11], $0x4000  }
0x31: {  	s25 =	simm.s32 $0x100;
	p0 =	por $0x0, $0x0;
	[sflag:s11] =	ssyncset.done $0x0  }
0x32: {  	s26 =	simm.s32 @!p0 $0x80;
	s28 =	simm.s32 @!p0 $0x800;
	[sflag:s11] =	ssyncadd.s32 $0xFFFFC000  }
0x33: {  	[tilespmem:s28], [sflag:$0x1] =	stream.indirect.gather @!p0 [hbm4b:s2+s26], $0x80, s25, s26, $0xb8;
	[tilespmem:$0x18800] =	vst v63  }
0x34: {  	s28 =	simm.s32 @!p0 $0x8800  }
0x35: {  	[tilespmem:s28], [sflag:$0x1] =	stream.indirect.gather @!p0 [hbm4b:s4+s26], $0x80, s25, s26, $0xb8;
	[tilespmem:$0x18800] =	vst v63  }
0x36: {  	s28 =	simm.s32 @!p0 $0x10800  }
0x37: {  	[tilespmem:s28], [sflag:$0x1] =	stream.indirect.gather @!p0 [hbm4b:s5+s26], $0x80, s25, s26, $0xb8;
	[tilespmem:$0x18800] =	vst v63  }
0x38: {  	_ =	swait.ge [sflag:s20], $0x4000  }
0x39: {  	[sflag:s20] =	ssyncset.done $0x0  }
0x3a: {  	[sflag:s20] =	ssyncadd.s32 $0xFFFFC000  }
0x3b: {  	_ =	swait.ge [sflag:s20], $0x4000  }
0x3c: {  	[sflag:s20] =	ssyncset.done $0x0  }
0x3d: {  	[sflag:s20] =	ssyncadd.s32 $0xFFFFC000  }
0x3e: {  	_ =	swait.ge [sflag:s20], $0x4000  }
0x3f: {  	[sflag:s20] =	ssyncset.done $0x0  }
0x40: {  	s22 =	sadd.s32 $0x800, s29;
	[sflag:s20] =	ssyncadd.s32 $0xFFFFC000  }
0x41: {  	[hbm4b:s22+s3] =	stream.linear.scatter [tilespmem:s16], [sflag:$0x3], $0x4000, $0x38;
	[tilespmem:$0x18800] =	vst v63  }
0x42: {  	_ =	swait.ge [sflag:s11], $0x4000  }
0x43: {  	[sflag:s11] =	ssyncset.done $0x0  }
0x44: {  	s30 =	sadd.s32 $0x800, s23;
	[sflag:s11] =	ssyncadd.s32 $0xFFFFC000  }
0x45: {  	[hbm4b:s30+s3] =	stream.linear.scatter [tilespmem:s17], [sflag:$0x3], $0x4000, $0x38;
	[tilespmem:$0x18800] =	vst v63  }
0x46: {  	_ =	swait.ge [sflag:s11], $0x4000  }
0x47: {  	[sflag:s11] =	ssyncset.done $0x0  }
0x48: {  	s31 =	sadd.s32 $0x800, s24;
	[sflag:s11] =	ssyncadd.s32 $0xFFFFC000  }
0x49: {  	[hbm4b:s31+s3] =	stream.linear.scatter [tilespmem:s18], [sflag:$0x3], $0x4000, $0x38;
	[tilespmem:$0x18800] =	vst v63  }
0x4a: {  	s23 =	simm.s32 $0x1000;
	_ =	swait.ge [sflag:s11], $0x4000  }
0x4b: {  	s24 =	simm.s32 $0x2000;
	s22 =	simm.s32 $0x200;
	[sflag:s11] =	ssyncset.done $0x0  }
.LBB2_2:
0x4c: {  	s25 =	sadd.s32 $0xFFFFFF80, s22  }
0x4d: {  	[sflag:s11] =	ssyncadd.s32 $0xFFFFC000;
	s26 =	smov.u32 s24;
	s24 =	sadd.s32 $0x1000, s24  }
0x4e: {  	[tilespmem:s16], [sflag:$0x2] =	stream.indirect.gather [hbm4b:s2+s12], $0x80, s25, s12, $0xb8;
	[tilespmem:$0x18800] =	vst v63  }
0x4f: {  	p0 =	sne.s32 s24, $0x8000  }
0x50: {  	[tilespmem:s17], [sflag:$0x2] =	stream.indirect.gather [hbm4b:s4+s12], $0x80, s25, s12, $0xb8;
	[tilespmem:$0x18800] =	vst v63  }
0x51: {  	_ = 	snop  }
0x52: {  	[tilespmem:s18], [sflag:$0x2] =	stream.indirect.gather [hbm4b:s5+s12], $0x80, s25, s12, $0xb8;
	[tilespmem:$0x18800] =	vst v63  }
0x53: {  	_ =	swait.ge [sflag:s19], $0x4000  }
0x54: {  	[sflag:s19] =	ssyncset.done $0x0  }
0x55: {  	[sflag:s19] =	ssyncadd.s32 $0xFFFFC000  }
0x56: {  	_ =	swait.ge [sflag:s19], $0x4000  }
0x57: {  	[sflag:s19] =	ssyncset.done $0x0  }
0x58: {  	[sflag:s19] =	ssyncadd.s32 $0xFFFFC000  }
0x59: {  	_ =	swait.ge [sflag:s19], $0x4000  }
0x5a: {  	[sflag:s19] =	ssyncset.done $0x0  }
0x5b: {  	s25 =	sadd.s32 s23, s10;
	[sflag:s19] =	ssyncadd.s32 $0xFFFFC000  }
0x5c: {  	[hbm4b:s25+s3] =	stream.linear.scatter [tilespmem:s13], [sflag:$0x3], $0x4000, $0x38;
	[tilespmem:$0x18800] =	vst v63  }
0x5d: {  	_ =	swait.ge [sflag:s11], $0x4000  }
0x5e: {  	[sflag:s11] =	ssyncset.done $0x0  }
0x5f: {  	s28 =	sadd.s32 s23, s9;
	[sflag:s11] =	ssyncadd.s32 $0xFFFFC000  }
0x60: {  	[hbm4b:s28+s3] =	stream.linear.scatter [tilespmem:s14], [sflag:$0x3], $0x4000, $0x38;
	[tilespmem:$0x18800] =	vst v63  }
0x61: {  	_ =	swait.ge [sflag:s11], $0x4000  }
0x62: {  	[sflag:s11] =	ssyncset.done $0x0  }
0x63: {  	s29 =	sadd.s32 s23, s8;
	[sflag:s11] =	ssyncadd.s32 $0xFFFFC000  }
0x64: {  	[hbm4b:s29+s3] =	stream.linear.scatter [tilespmem:s15], [sflag:$0x3], $0x4000, $0x38;
	[tilespmem:$0x18800] =	vst v63  }
0x65: {  	_ =	swait.ge [sflag:s11], $0x4000  }
0x66: {  	p1 =	seq.s32 s23, $0x7000;
	s23 =	smov.u32 s26;
	[sflag:s11] =	ssyncset.done $0x0  }
0x67: {  	s30 =	simm.s32 @!p1 $0x800;
	s26 =	simm.s32 @!p1 $0x80;
	[sflag:s11] =	ssyncadd.s32 $0xFFFFC000  }
0x68: {  	[tilespmem:s30], [sflag:$0x1] =	stream.indirect.gather @!p1 [hbm4b:s2+s26], $0x80, s22, s26, $0xb8;
	[tilespmem:$0x18800] =	vst v63  }
0x69: {  	s30 =	simm.s32 @!p1 $0x8800  }
0x6a: {  	[tilespmem:s30], [sflag:$0x1] =	stream.indirect.gather @!p1 [hbm4b:s4+s26], $0x80, s22, s26, $0xb8;
	[tilespmem:$0x18800] =	vst v63  }
0x6b: {  	s30 =	simm.s32 @!p1 $0x10800  }
0x6c: {  	[tilespmem:s30], [sflag:$0x1] =	stream.indirect.gather @!p1 [hbm4b:s5+s26], $0x80, s22, s26, $0xb8;
	[tilespmem:$0x18800] =	vst v63  }
0x6d: {  	_ =	swait.ge [sflag:s20], $0x4000  }
0x6e: {  	[sflag:s20] =	ssyncset.done $0x0  }
0x6f: {  	[sflag:s20] =	ssyncadd.s32 $0xFFFFC000  }
0x70: {  	_ =	swait.ge [sflag:s20], $0x4000  }
0x71: {  	[sflag:s20] =	ssyncset.done $0x0  }
0x72: {  	[sflag:s20] =	ssyncadd.s32 $0xFFFFC000  }
0x73: {  	_ =	swait.ge [sflag:s20], $0x4000  }
0x74: {  	[sflag:s20] =	ssyncset.done $0x0  }
0x75: {  	s25 =	sadd.s32 $0x800, s25;
	[sflag:s20] =	ssyncadd.s32 $0xFFFFC000  }
0x76: {  	[hbm4b:s25+s3] =	stream.linear.scatter [tilespmem:s16], [sflag:$0x3], $0x4000, $0x38;
	[tilespmem:$0x18800] =	vst v63  }
0x77: {  	_ =	swait.ge [sflag:s11], $0x4000  }
0x78: {  	[sflag:s11] =	ssyncset.done $0x0  }
0x79: {  	s25 =	sadd.s32 $0x800, s28;
	[sflag:s11] =	ssyncadd.s32 $0xFFFFC000  }
0x7a: {  	[hbm4b:s25+s3] =	stream.linear.scatter [tilespmem:s17], [sflag:$0x3], $0x4000, $0x38;
	[tilespmem:$0x18800] =	vst v63  }
0x7b: {  	_ =	swait.ge [sflag:s11], $0x4000  }
.Ltmp0:
0x7c: {  	[sflag:s11] =	ssyncset.done $0x0;
	(pc) =	sbr.rel @p0 .LBB2_2-.Ltmp0, $4  }
0x7d: {  	s25 =	sadd.s32 $0x800, s29;
	[sflag:s11] =	ssyncadd.s32 $0xFFFFC000  }
0x7e: {  	[hbm4b:s25+s3] =	stream.linear.scatter [tilespmem:s18], [sflag:$0x3], $0x4000, $0x38;
	[tilespmem:$0x18800] =	vst v63  }
0x7f: {  	_ =	swait.ge [sflag:s11], $0x4000  }
0x80: {  	s22 =	sadd.s32 $0x100, s22;
	[sflag:s11] =	ssyncset.done $0x0  }
0x81: {  	s24 =	sadd.s32 $0xFFFFFF80, s22;
	[sflag:s11] =	ssyncadd.s32 $0xFFFFC000  }
0x82: {  	[tilespmem:s16], [sflag:$0x2] =	stream.indirect.gather [hbm4b:s2+s12], $0x80, s24, s12, $0xb8;
	[tilespmem:$0x18800] =	vst v63  }
0x83: {  	_ = 	snop  }
0x84: {  	[tilespmem:s17], [sflag:$0x2] =	stream.indirect.gather [hbm4b:s4+s12], $0x80, s24, s12, $0xb8;
	[tilespmem:$0x18800] =	vst v63  }
0x85: {  	_ = 	snop  }
0x86: {  	[tilespmem:s18], [sflag:$0x2] =	stream.indirect.gather [hbm4b:s5+s12], $0x80, s24, s12, $0xb8;
	[tilespmem:$0x18800] =	vst v63  }
0x87: {  	_ =	swait.ge [sflag:s19], $0x4000  }
0x88: {  	[sflag:s19] =	ssyncset.done $0x0  }
0x89: {  	[sflag:s19] =	ssyncadd.s32 $0xFFFFC000  }
0x8a: {  	_ =	swait.ge [sflag:s19], $0x4000  }
0x8b: {  	[sflag:s19] =	ssyncset.done $0x0  }
0x8c: {  	[sflag:s19] =	ssyncadd.s32 $0xFFFFC000  }
0x8d: {  	_ =	swait.ge [sflag:s19], $0x4000  }
0x8e: {  	[sflag:s19] =	ssyncset.done $0x0  }
0x8f: {  	s31 =	sadd.s32 s23, s10;
	[sflag:s19] =	ssyncadd.s32 $0xFFFFC000  }
0x90: {  	[hbm4b:s31+s3] =	stream.linear.scatter [tilespmem:s13], [sflag:$0x3], $0x4000, $0x38;
	[tilespmem:$0x18800] =	vst v63  }
0x91: {  	_ =	swait.ge [sflag:s11], $0x4000  }
0x92: {  	[sflag:s11] =	ssyncset.done $0x0  }
0x93: {  	s25 =	sadd.s32 s23, s9;
	[sflag:s11] =	ssyncadd.s32 $0xFFFFC000  }
0x94: {  	[hbm4b:s25+s3] =	stream.linear.scatter [tilespmem:s14], [sflag:$0x3], $0x4000, $0x38;
	[tilespmem:$0x18800] =	vst v63  }
0x95: {  	_ =	swait.ge [sflag:s11], $0x4000  }
0x96: {  	[sflag:s11] =	ssyncset.done $0x0  }
0x97: {  	s26 =	sadd.s32 s23, s8;
	[sflag:s11] =	ssyncadd.s32 $0xFFFFC000  }
0x98: {  	[hbm4b:s26+s3] =	stream.linear.scatter [tilespmem:s15], [sflag:$0x3], $0x4000, $0x38;
	[tilespmem:$0x18800] =	vst v63  }
0x99: {  	_ =	swait.ge [sflag:s11], $0x4000  }
0x9a: {  	p0 =	seq.s32 s23, $0x7000;
	[sflag:s11] =	ssyncset.done $0x0  }
0x9b: {  	s23 =	simm.s32 @!p0 $0x80;
	s28 =	simm.s32 @!p0 $0x800;
	[sflag:s11] =	ssyncadd.s32 $0xFFFFC000  }
0x9c: {  	[tilespmem:s28], [sflag:$0x1] =	stream.indirect.gather @!p0 [hbm4b:s2+s23], $0x80, s22, s23, $0xb8;
	[tilespmem:$0x18800] =	vst v63  }
0x9d: {  	s28 =	simm.s32 @!p0 $0x8800  }
0x9e: {  	[tilespmem:s28], [sflag:$0x1] =	stream.indirect.gather @!p0 [hbm4b:s4+s23], $0x80, s22, s23, $0xb8;
	[tilespmem:$0x18800] =	vst v63  }
0x9f: {  	s28 =	simm.s32 @!p0 $0x10800  }
0xa0: {  	[tilespmem:s28], [sflag:$0x1] =	stream.indirect.gather @!p0 [hbm4b:s5+s23], $0x80, s22, s23, $0xb8;
	[tilespmem:$0x18800] =	vst v63  }
0xa1: {  	_ =	swait.ge [sflag:s20], $0x4000  }
0xa2: {  	[sflag:s20] =	ssyncset.done $0x0  }
0xa3: {  	[sflag:s20] =	ssyncadd.s32 $0xFFFFC000  }
0xa4: {  	_ =	swait.ge [sflag:s20], $0x4000  }
0xa5: {  	[sflag:s20] =	ssyncset.done $0x0  }
0xa6: {  	[sflag:s20] =	ssyncadd.s32 $0xFFFFC000  }
0xa7: {  	_ =	swait.ge [sflag:s20], $0x4000  }
0xa8: {  	[sflag:s20] =	ssyncset.done $0x0  }
0xa9: {  	s29 =	sadd.s32 $0x800, s31;
	[sflag:s20] =	ssyncadd.s32 $0xFFFFC000  }
0xaa: {  	[hbm4b:s29+s3] =	stream.linear.scatter [tilespmem:s16], [sflag:$0x3], $0x4000, $0x38;
	[tilespmem:$0x18800] =	vst v63  }
0xab: {  	_ =	swait.ge [sflag:s11], $0x4000  }
0xac: {  	[sflag:s11] =	ssyncset.done $0x0  }
0xad: {  	s30 =	sadd.s32 $0x800, s25;
	[sflag:s11] =	ssyncadd.s32 $0xFFFFC000  }
0xae: {  	[hbm4b:s30+s3] =	stream.linear.scatter [tilespmem:s17], [sflag:$0x3], $0x4000, $0x38;
	[tilespmem:$0x18800] =	vst v63  }
0xaf: {  	s21 =	sadd.s32 $0x1, s21;
	_ =	swait.ge [sflag:s11], $0x4000  }
0xb0: {  	p0 =	sne.s32 s21, s7;
	[sflag:s11] =	ssyncset.done $0x0  }
.Ltmp1:
0xb1: {  	s31 =	sadd.s32 $0x800, s26;
	[sflag:s11] =	ssyncadd.s32 $0xFFFFC000;
	(pc) =	sbr.rel @p0 .LBB2_1-.Ltmp1, $4  }
0xb2: {  	[hbm4b:s31+s3] =	stream.linear.scatter [tilespmem:s18], [sflag:$0x3], $0x4000, $0x38;
	[tilespmem:$0x18800] =	vst v63  }
0xb3: {  	_ =	swait.ge [sflag:s11], $0x4000  }
0xb4: {  	[sflag:s11] =	ssyncset.done $0x0  }
0xb5: {  	[sflag:s11] =	ssyncadd.s32 $0xFFFFC000  }
0xb6: {  	_ =	sfence.sel $0x180000  }
0xb7: {  	[bflag:$0x0] =	sbarrier.arrive $0xFFFF  }
0xb8: {  	p0 =	sne.s32 s1, $0x0;
	_ =	strace $0x90000047  }
0xb9: {  	s0 =	sadd.s32 @!p0 $0x100000, s0;
	[bflag:$0x2] =	sbarrier.arrive $0xFFFF  }
0xba: {  	[sflag:s0] =	ssyncadd.tile.s32 @!p0 $0x1;
	_ =	shalt  }
.Lfunc_end2:
_tile_overlayer_lowered:
.L_overlay_start_2:
0xbb: {  	(tag) =	ssettag $0x2  }
0xbc: {  	s0 =	rddreg [dreg:$0x0];
	s2 =	stileid.u32  }
0xbd: {  	s1 =	rddreg [dreg:$0x1];
	p0 =	sne.s32 s2, $0x0  }
0xbe: {  	s3 =	rddreg [dreg:$0x2];
	[bflag:$0x3] =	sbarrier.arrive $0xFFFF;
	s2 =	simm.s32 @!p0 $0x1C03  }
0xbf: {  	[timem:s3], [sflag:s2] =	dma.local @!p0 [hbm:s0], s1  }
0xc0: {  	s0 =	simm.s32 @!p0 $0x3  }
0xc1: {  	_ =	swait.ge @!p0 [sflag:s0], s1  }
0xc2: {  	s1 =	ssub.s32 @!p0 $0x0, s1;
	[sflag:s0] =	ssyncset.done @!p0 $0x0  }
0xc3: {  	[sflag:s0] =	ssyncadd.s32 @!p0 s1  }
0xc4: {  	[bflag:$0x3] =	sbarrier.arrive $0xFFFF  }
0xc5: {  	_ =	shalt  }

</sc_bundles>
